<compile_context>
chip_gen: v7x
topology: tpu7x:2x2x1
jax: 0.10.2.dev20260603
libtpu: 0.0.44.dev20260713+nightly
codegen_flags: <defaults>
</compile_context>

<pallas_src>
import functools

import jax
import jax.numpy as jnp
from jax import lax
from jax.experimental import pallas as pl
from jax.experimental.pallas import tpu as pltpu
from jax.experimental.pallas import tpu_sc as plsc

N = 10000
E = 320000
D = 128

NC = 2
NS = 16
NW = NC * NS

EPT = E // NW
CHUNK = 128
NFULL = EPT // CHUNK
TAIL = EPT - NFULL * CHUNK

RPT = 632
LAST = N - (NS - 1) * RPT
DEGW = 16


def _sc_mesh():
    return plsc.VectorSubcoreMesh(core_axis_name="c", subcore_axis_name="s")


def _tile_slice_copy(s, src_at, dst_at):
    base = pl.multiple_of(s * RPT, 8)

    @pl.when(s < NS - 1)
    def _():
        pltpu.sync_copy(src_at(base, RPT), dst_at(base, RPT))

    @pl.when(s == NS - 1)
    def _():
        lbase = (NS - 1) * RPT
        pltpu.sync_copy(src_at(lbase, LAST), dst_at(lbase, LAST))


@functools.partial(
    pl.kernel,
    out_type=(
        jax.ShapeDtypeStruct((N, D), jnp.float32),
        jax.ShapeDtypeStruct((N, D), jnp.float32),
    ),
    mesh=_sc_mesh(),
    scratch_types=[
        pltpu.VMEM((CHUNK,), jnp.int32),
        pltpu.VMEM((TAIL,), jnp.int32),
        pltpu.VMEM((CHUNK, D), jnp.float32),
        pltpu.VMEM_SHARED((N, D), jnp.float32),
    ],
)
def _deg_kernel(dst_hbm, zeros_hbm, ones_hbm, out0, out1,
                idx_d, idx_t, ones_v, cnt):
    c = lax.axis_index("c")
    s = lax.axis_index("s")
    wid = c * NS + s
    _tile_slice_copy(s, lambda b, n: zeros_hbm.at[pl.ds(b, n)],
                     lambda b, n: cnt.at[pl.ds(b, n)])
    pltpu.sync_copy(ones_hbm, ones_v)
    plsc.subcore_barrier()

    ebase = wid * EPT

    def body(j, carry):
        off = pl.multiple_of(ebase + j * CHUNK, 8)
        pltpu.sync_copy(dst_hbm.at[pl.ds(off, CHUNK)], idx_d)
        pltpu.sync_copy(ones_v, cnt.at[idx_d], add=True)
        return carry

    lax.fori_loop(0, NFULL, body, 0)
    toff = pl.multiple_of(ebase + NFULL * CHUNK, 8)
    pltpu.sync_copy(dst_hbm.at[pl.ds(toff, TAIL)], idx_t)
    pltpu.sync_copy(ones_v.at[pl.ds(0, TAIL)], cnt.at[idx_t], add=True)
    plsc.subcore_barrier()

    @pl.when(c == 0)
    def _():
        _tile_slice_copy(s, lambda b, n: cnt.at[pl.ds(b, n)],
                         lambda b, n: out0.at[pl.ds(b, n)])

    @pl.when(c == 1)
    def _():
        _tile_slice_copy(s, lambda b, n: cnt.at[pl.ds(b, n)],
                         lambda b, n: out1.at[pl.ds(b, n)])


@functools.partial(
    pl.kernel,
    out_type=(
        jax.ShapeDtypeStruct((N, D), jnp.float32),
        jax.ShapeDtypeStruct((N, D), jnp.float32),
    ),
    mesh=_sc_mesh(),
    scratch_types=[
        pltpu.VMEM((CHUNK,), jnp.int32),
        pltpu.VMEM((CHUNK,), jnp.int32),
        pltpu.VMEM((TAIL,), jnp.int32),
        pltpu.VMEM((TAIL,), jnp.int32),
        pltpu.VMEM((CHUNK, D), jnp.float32),
        pltpu.VMEM((TAIL, D), jnp.float32),
        pltpu.VMEM_SHARED((N, D), jnp.float32),
        pltpu.SemaphoreType.DMA,
    ],
)
def _agg_kernel(hs_hbm, src_hbm, dst_hbm, zeros_hbm, out0, out1,
                idx_s, idx_d, idx_st, idx_dt, rows, rows_t, agg, sem):
    c = lax.axis_index("c")
    s = lax.axis_index("s")
    wid = c * NS + s

    @pl.when(c == 0)
    def _():
        _tile_slice_copy(s, lambda b, n: hs_hbm.at[pl.ds(b, n)],
                         lambda b, n: agg.at[pl.ds(b, n)])

    @pl.when(c == 1)
    def _():
        _tile_slice_copy(s, lambda b, n: zeros_hbm.at[pl.ds(b, n)],
                         lambda b, n: agg.at[pl.ds(b, n)])

    plsc.subcore_barrier()

    ebase = wid * EPT

    def body(j, carry):
        off = pl.multiple_of(ebase + j * CHUNK, 8)
        pltpu.sync_copy(src_hbm.at[pl.ds(off, CHUNK)], idx_s)
        pltpu.sync_copy(dst_hbm.at[pl.ds(off, CHUNK)], idx_d)
        pltpu.async_copy(hs_hbm.at[idx_s], rows, sem).wait()
        pltpu.sync_copy(rows, agg.at[idx_d], add=True)
        return carry

    lax.fori_loop(0, NFULL, body, 0)

    toff = pl.multiple_of(ebase + NFULL * CHUNK, 8)
    pltpu.sync_copy(src_hbm.at[pl.ds(toff, TAIL)], idx_st)
    pltpu.sync_copy(dst_hbm.at[pl.ds(toff, TAIL)], idx_dt)
    pltpu.async_copy(hs_hbm.at[idx_st], rows_t, sem).wait()
    pltpu.sync_copy(rows_t, agg.at[idx_dt], add=True)

    plsc.subcore_barrier()

    @pl.when(c == 0)
    def _():
        _tile_slice_copy(s, lambda b, n: agg.at[pl.ds(b, n)],
                         lambda b, n: out0.at[pl.ds(b, n)])

    @pl.when(c == 1)
    def _():
        _tile_slice_copy(s, lambda b, n: agg.at[pl.ds(b, n)],
                         lambda b, n: out1.at[pl.ds(b, n)])


_BLK = 1000
_GRID = N // _BLK


def _mm_scale_body(x_ref, w_ref, d0_ref, d1_ref, o_ref, dv_ref):
    deg = d0_ref[:, 0:1] + d1_ref[:, 0:1] + 1.0
    dinv = lax.rsqrt(deg)
    h = jnp.dot(x_ref[...], w_ref[...], preferred_element_type=jnp.float32)
    o_ref[...] = h * dinv
    dv_ref[...] = jnp.broadcast_to(dinv, (_BLK, DEGW))


def _finish_mm_body(a0_ref, a1_ref, dv_ref, b_ref, w_ref, o_ref):
    dinv = dv_ref[:, 0:1]
    h = (a0_ref[...] + a1_ref[...]) * dinv + b_ref[...]
    o_ref[...] = jnp.dot(h, w_ref[...], preferred_element_type=jnp.float32) * dinv


def _finish_body(a0_ref, a1_ref, dv_ref, b_ref, o_ref):
    dinv = dv_ref[:, 0:1]
    o_ref[...] = (a0_ref[...] + a1_ref[...]) * dinv + b_ref[...]


_row_spec = pl.BlockSpec((_BLK, D), lambda i: (i, 0))
_dv_spec = pl.BlockSpec((_BLK, DEGW), lambda i: (i, 0))
_w_spec = pl.BlockSpec((D, D), lambda i: (0, 0))
_b_spec = pl.BlockSpec((1, D), lambda i: (0, 0))
_out_t = jax.ShapeDtypeStruct((N, D), jnp.float32)
_dv_t = jax.ShapeDtypeStruct((N, DEGW), jnp.float32)

_mm_scale = pl.pallas_call(
    _mm_scale_body,
    grid=(_GRID,),
    in_specs=[_row_spec, _w_spec, _row_spec, _row_spec],
    out_specs=(_row_spec, _dv_spec),
    out_shape=(_out_t, _dv_t),
)

_finish_mm = pl.pallas_call(
    _finish_mm_body,
    grid=(_GRID,),
    in_specs=[_row_spec, _row_spec, _dv_spec, _b_spec, _w_spec],
    out_specs=_row_spec,
    out_shape=_out_t,
)

_finish = pl.pallas_call(
    _finish_body,
    grid=(_GRID,),
    in_specs=[_row_spec, _row_spec, _dv_spec, _b_spec],
    out_specs=_row_spec,
    out_shape=_out_t,
)


def kernel(x, edge_index, W1, b1, W2, b2):
    ei = edge_index.astype(jnp.int32)
    src = ei[0]
    dst = ei[1]
    b1r = b1.reshape(1, D)
    b2r = b2.reshape(1, D)

    ones_rows = jnp.ones((CHUNK, D), jnp.float32)
    zeros_rows = jnp.zeros((N, D), jnp.float32)

    deg0, deg1 = _deg_kernel(dst, zeros_rows, ones_rows)

    hs1, dinvb = _mm_scale(x, W1, deg0, deg1)
    a10, a11 = _agg_kernel(hs1, src, dst, zeros_rows)
    hs2 = _finish_mm(a10, a11, dinvb, b1r, W2)
    a20, a21 = _agg_kernel(hs2, src, dst, zeros_rows)
    return _finish(a20, a21, dinvb, b2r)

# --- scband reference (transcript-rebuilt; emitter-appended) ---
"""Pipeline reference for scband-gcn-39118562132566 (READ-ONLY COPY).

The authoritative reference and input builder live on the scoring server;
editing this copy changes nothing except your own understanding.
"""

import jax, jax.numpy as jnp
import numpy as np

N_NODES = 10000
N_EDGES = 320000
D_IN = 128
D_HID = 128


def gcn_conv(x, edge_index, W, b):
    N = x.shape[0]
    src = edge_index[0]
    dst = edge_index[1]
    loop = jnp.arange(N, dtype=edge_index.dtype)
    src = jnp.concatenate([src, loop])
    dst = jnp.concatenate([dst, loop])
    # symmetric normalization with self-loops (GCNConv default)
    deg = jnp.zeros((N,), dtype=x.dtype).at[dst].add(1.0)
    deg_inv_sqrt = jnp.where(deg > 0, 1.0 / jnp.sqrt(deg), 0.0)
    norm = deg_inv_sqrt[src] * deg_inv_sqrt[dst]
    h = x @ W
    msg = h[src] * norm[:, None]
    out = jnp.zeros((N, W.shape[1]), dtype=x.dtype).at[dst].add(msg)
    return out + b


def setup_inputs(seed: int = 0) -> dict:
    key = jax.random.key(seed)
    k_x, k_e, k_w1, k_b1, k_w2, k_b2 = jax.random.split(key, 6)
    x = jax.random.normal(k_x, (N_NODES, D_IN), dtype=jnp.float32)
    edge_index = jax.random.randint(k_e, (2, N_EDGES), 0, N_NODES, dtype=jnp.int64)
    s1 = 1.0 / np.sqrt(D_IN)
    s2 = 1.0 / np.sqrt(D_HID)
    W1 = jax.random.uniform(k_w1, (D_IN, D_HID), minval=-s1, maxval=s1, dtype=jnp.float32)
    b1 = jax.random.uniform(k_b1, (D_HID,), minval=-s1, maxval=s1, dtype=jnp.float32)
    W2 = jax.random.uniform(k_w2, (D_HID, D_HID), minval=-s2, maxval=s2, dtype=jnp.float32)
    b2 = jax.random.uniform(k_b2, (D_HID,), minval=-s2, maxval=s2, dtype=jnp.float32)
    return {"x": x, "edge_index": edge_index, "W1": W1, "b1": b1, "W2": W2, "b2": b2}


def reference(x, edge_index, W1, b1, W2, b2):
    h = gcn_conv(x, edge_index, W1, b1)
    out = gcn_conv(h, edge_index, W2, b2)
    return out

if __name__ == "__main__":
    import jax
    _d = setup_inputs()
    print(jax.jit(kernel)(*tuple(_d.values())))

</pallas_src>

<mosaic_0001>
#map = affine_map<(d0, d1) -> (0, 0)>
#map1 = affine_map<(d0, d1) -> (0)>
module attributes {stable_mosaic.version = 14 : i64} {
  func.func @_agg_kernel(%arg0: i32, %arg1: i32, %arg2: memref<10000x128xf32, #tpu.memory_space<hbm>>, %arg3: memref<320000xi32, #tpu.memory_space<hbm>>, %arg4: memref<320000xi32, #tpu.memory_space<hbm>>, %arg5: memref<10000x128xf32, #tpu.memory_space<hbm>>, %arg6: memref<10000x128xf32, #tpu.memory_space<hbm>>, %arg7: memref<10000x128xf32, #tpu.memory_space<hbm>>, %arg8: memref<128xi32, #tpu.memory_space<vmem>>, %arg9: memref<128xi32, #tpu.memory_space<vmem>>, %arg10: memref<16xi32, #tpu.memory_space<vmem>>, %arg11: memref<16xi32, #tpu.memory_space<vmem>>, %arg12: memref<128x128xf32, #tpu.memory_space<vmem>>, %arg13: memref<16x128xf32, #tpu.memory_space<vmem>>, %arg14: memref<10000x128xf32, #tpu.memory_space<vmem_shared>>, %arg15: memref<!tpu.dma_semaphore, #tpu.memory_space<semaphore_mem>>) attributes {dimension_semantics = [#tpu.dimension_semantics<core_parallel>, #tpu.dimension_semantics<subcore_parallel>], iteration_bounds = array<i64: 2, 16>, scalar_prefetch = 0 : i64, scratch_operands = 8 : i64, tpu.core_type = #tpu.core_type<sc_vector_subcore>, window_params = [{transform_indices = #map}, {transform_indices = #map1}, {transform_indices = #map1}, {transform_indices = #map}, {transform_indices = #map}, {transform_indices = #map}]} {
    %mul3A = arith.constant 16 : i32
    %mul3A_0 = arith.muli %arg0, %mul3A : i32
    %add3A = arith.addi %mul3A_0, %arg1 : i32
    %eq3A = arith.constant 0 : i32
    %eq3A_1 = arith.cmpi eq, %arg0, %eq3A : i32
    %convert_element_type3A = arith.extui %eq3A_1 : i1 to i32
    %cond3A = arith.constant 0 : i32
    %cond3A_2 = arith.cmpi ne, %convert_element_type3A, %cond3A : i32
    scf.if %cond3A_2 {
      %mul3A_32 = arith.constant 632 : i32
      %mul3A_33 = arith.muli %arg1, %mul3A_32 : i32
      %multiple_of3A_34 = tpu.assume_multiple %mul3A_33, 8 : i32
      %lt3A = arith.constant 15 : i32
      %lt3A_35 = arith.cmpi slt, %arg1, %lt3A : i32
      %convert_element_type3A_36 = arith.extui %lt3A_35 : i1 to i32
      %cond3A_37 = arith.constant 0 : i32
      %cond3A_38 = arith.cmpi ne, %convert_element_type3A_36, %cond3A_37 : i32
      scf.if %cond3A_38 {
        "tpu.region"() ({
          %run_scoped3A = tpu.sem_alloc : memref<!tpu.dma_semaphore, #tpu.memory_space<semaphore_mem>>
          %dma_start3A_44 = arith.constant 0 : i32
          %dma_start3A_45 = tpu.memref_slice %arg14[%multiple_of3A_34, %dma_start3A_44] : memref<10000x128xf32, #tpu.memory_space<vmem_shared>> -> memref<632x128xf32, #tpu.memory_space<vmem_shared>>
          %dma_start3A_46 = arith.constant 0 : i32
          %dma_start3A_47 = tpu.memref_slice %arg2[%multiple_of3A_34, %dma_start3A_46] : memref<10000x128xf32, #tpu.memory_space<hbm>> -> memref<632x128xf32, #tpu.memory_space<hbm>>
          tpu.enqueue_dma source(%dma_start3A_47 : memref<632x128xf32, #tpu.memory_space<hbm>>) target(%dma_start3A_45 : memref<632x128xf32, #tpu.memory_space<vmem_shared>>) target_semaphore(%run_scoped3A : memref<!tpu.dma_semaphore, #tpu.memory_space<semaphore_mem>>)
          %dma_wait3A_48 = arith.constant 0 : i32
          %dma_wait3A_49 = tpu.memref_slice %arg14[%multiple_of3A_34, %dma_wait3A_48] : memref<10000x128xf32, #tpu.memory_space<vmem_shared>> -> memref<632x128xf32, #tpu.memory_space<vmem_shared>>
          %dma_wait3A_50 = arith.constant 0 : i32
          %dma_wait3A_51 = tpu.memref_slice %arg2[%multiple_of3A_34, %dma_wait3A_50] : memref<10000x128xf32, #tpu.memory_space<hbm>> -> memref<632x128xf32, #tpu.memory_space<hbm>>
          tpu.wait_dma2 semaphore(%run_scoped3A : memref<!tpu.dma_semaphore, #tpu.memory_space<semaphore_mem>>) src(%dma_wait3A_51 : memref<632x128xf32, #tpu.memory_space<hbm>>) dst(%dma_wait3A_49 : memref<632x128xf32, #tpu.memory_space<vmem_shared>>)
          tpu.yield
        }) : () -> ()
      } else {
      }
      %eq3A_39 = arith.constant 15 : i32
      %eq3A_40 = arith.cmpi eq, %arg1, %eq3A_39 : i32
      %convert_element_type3A_41 = arith.extui %eq3A_40 : i1 to i32
      %cond3A_42 = arith.constant 0 : i32
      %cond3A_43 = arith.cmpi ne, %convert_element_type3A_41, %cond3A_42 : i32
      scf.if %cond3A_43 {
        "tpu.region"() ({
          %run_scoped3A = tpu.sem_alloc : memref<!tpu.dma_semaphore, #tpu.memory_space<semaphore_mem>>
          %dma_start3A_44 = arith.constant 9480 : i32
          %dma_start3A_45 = arith.constant 0 : i32
          %dma_start3A_46 = tpu.memref_slice %arg14[%dma_start3A_44, %dma_start3A_45] : memref<10000x128xf32, #tpu.memory_space<vmem_shared>> -> memref<520x128xf32, #tpu.memory_space<vmem_shared>>
          %dma_start3A_47 = arith.constant 9480 : i32
          %dma_start3A_48 = arith.constant 0 : i32
          %dma_start3A_49 = tpu.memref_slice %arg2[%dma_start3A_47, %dma_start3A_48] : memref<10000x128xf32, #tpu.memory_space<hbm>> -> memref<520x128xf32, #tpu.memory_space<hbm>>
          tpu.enqueue_dma source(%dma_start3A_49 : memref<520x128xf32, #tpu.memory_space<hbm>>) target(%dma_start3A_46 : memref<520x128xf32, #tpu.memory_space<vmem_shared>>) target_semaphore(%run_scoped3A : memref<!tpu.dma_semaphore, #tpu.memory_space<semaphore_mem>>)
          %dma_wait3A_50 = arith.constant 9480 : i32
          %dma_wait3A_51 = arith.constant 0 : i32
          %dma_wait3A_52 = tpu.memref_slice %arg14[%dma_wait3A_50, %dma_wait3A_51] : memref<10000x128xf32, #tpu.memory_space<vmem_shared>> -> memref<520x128xf32, #tpu.memory_space<vmem_shared>>
          %dma_wait3A_53 = arith.constant 9480 : i32
          %dma_wait3A_54 = arith.constant 0 : i32
          %dma_wait3A_55 = tpu.memref_slice %arg2[%dma_wait3A_53, %dma_wait3A_54] : memref<10000x128xf32, #tpu.memory_space<hbm>> -> memref<520x128xf32, #tpu.memory_space<hbm>>
          tpu.wait_dma2 semaphore(%run_scoped3A : memref<!tpu.dma_semaphore, #tpu.memory_space<semaphore_mem>>) src(%dma_wait3A_55 : memref<520x128xf32, #tpu.memory_space<hbm>>) dst(%dma_wait3A_52 : memref<520x128xf32, #tpu.memory_space<vmem_shared>>)
          tpu.yield
        }) : () -> ()
      } else {
      }
    } else {
    }
    %eq3A_3 = arith.constant 1 : i32
    %eq3A_4 = arith.cmpi eq, %arg0, %eq3A_3 : i32
    %convert_element_type3A_5 = arith.extui %eq3A_4 : i1 to i32
    %cond3A_6 = arith.constant 0 : i32
    %cond3A_7 = arith.cmpi ne, %convert_element_type3A_5, %cond3A_6 : i32
    scf.if %cond3A_7 {
      %mul3A_32 = arith.constant 632 : i32
      %mul3A_33 = arith.muli %arg1, %mul3A_32 : i32
      %multiple_of3A_34 = tpu.assume_multiple %mul3A_33, 8 : i32
      %lt3A = arith.constant 15 : i32
      %lt3A_35 = arith.cmpi slt, %arg1, %lt3A : i32
      %convert_element_type3A_36 = arith.extui %lt3A_35 : i1 to i32
      %cond3A_37 = arith.constant 0 : i32
      %cond3A_38 = arith.cmpi ne, %convert_element_type3A_36, %cond3A_37 : i32
      scf.if %cond3A_38 {
        "tpu.region"() ({
          %run_scoped3A = tpu.sem_alloc : memref<!tpu.dma_semaphore, #tpu.memory_space<semaphore_mem>>
          %dma_start3A_44 = arith.constant 0 : i32
          %dma_start3A_45 = tpu.memref_slice %arg14[%multiple_of3A_34, %dma_start3A_44] : memref<10000x128xf32, #tpu.memory_space<vmem_shared>> -> memref<632x128xf32, #tpu.memory_space<vmem_shared>>
          %dma_start3A_46 = arith.constant 0 : i32
          %dma_start3A_47 = tpu.memref_slice %arg5[%multiple_of3A_34, %dma_start3A_46] : memref<10000x128xf32, #tpu.memory_space<hbm>> -> memref<632x128xf32, #tpu.memory_space<hbm>>
          tpu.enqueue_dma source(%dma_start3A_47 : memref<632x128xf32, #tpu.memory_space<hbm>>) target(%dma_start3A_45 : memref<632x128xf32, #tpu.memory_space<vmem_shared>>) target_semaphore(%run_scoped3A : memref<!tpu.dma_semaphore, #tpu.memory_space<semaphore_mem>>)
          %dma_wait3A_48 = arith.constant 0 : i32
          %dma_wait3A_49 = tpu.memref_slice %arg14[%multiple_of3A_34, %dma_wait3A_48] : memref<10000x128xf32, #tpu.memory_space<vmem_shared>> -> memref<632x128xf32, #tpu.memory_space<vmem_shared>>
          %dma_wait3A_50 = arith.constant 0 : i32
          %dma_wait3A_51 = tpu.memref_slice %arg5[%multiple_of3A_34, %dma_wait3A_50] : memref<10000x128xf32, #tpu.memory_space<hbm>> -> memref<632x128xf32, #tpu.memory_space<hbm>>
          tpu.wait_dma2 semaphore(%run_scoped3A : memref<!tpu.dma_semaphore, #tpu.memory_space<semaphore_mem>>) src(%dma_wait3A_51 : memref<632x128xf32, #tpu.memory_space<hbm>>) dst(%dma_wait3A_49 : memref<632x128xf32, #tpu.memory_space<vmem_shared>>)
          tpu.yield
        }) : () -> ()
      } else {
      }
      %eq3A_39 = arith.constant 15 : i32
      %eq3A_40 = arith.cmpi eq, %arg1, %eq3A_39 : i32
      %convert_element_type3A_41 = arith.extui %eq3A_40 : i1 to i32
      %cond3A_42 = arith.constant 0 : i32
      %cond3A_43 = arith.cmpi ne, %convert_element_type3A_41, %cond3A_42 : i32
      scf.if %cond3A_43 {
        "tpu.region"() ({
          %run_scoped3A = tpu.sem_alloc : memref<!tpu.dma_semaphore, #tpu.memory_space<semaphore_mem>>
          %dma_start3A_44 = arith.constant 9480 : i32
          %dma_start3A_45 = arith.constant 0 : i32
          %dma_start3A_46 = tpu.memref_slice %arg14[%dma_start3A_44, %dma_start3A_45] : memref<10000x128xf32, #tpu.memory_space<vmem_shared>> -> memref<520x128xf32, #tpu.memory_space<vmem_shared>>
          %dma_start3A_47 = arith.constant 9480 : i32
          %dma_start3A_48 = arith.constant 0 : i32
          %dma_start3A_49 = tpu.memref_slice %arg5[%dma_start3A_47, %dma_start3A_48] : memref<10000x128xf32, #tpu.memory_space<hbm>> -> memref<520x128xf32, #tpu.memory_space<hbm>>
          tpu.enqueue_dma source(%dma_start3A_49 : memref<520x128xf32, #tpu.memory_space<hbm>>) target(%dma_start3A_46 : memref<520x128xf32, #tpu.memory_space<vmem_shared>>) target_semaphore(%run_scoped3A : memref<!tpu.dma_semaphore, #tpu.memory_space<semaphore_mem>>)
          %dma_wait3A_50 = arith.constant 9480 : i32
          %dma_wait3A_51 = arith.constant 0 : i32
          %dma_wait3A_52 = tpu.memref_slice %arg14[%dma_wait3A_50, %dma_wait3A_51] : memref<10000x128xf32, #tpu.memory_space<vmem_shared>> -> memref<520x128xf32, #tpu.memory_space<vmem_shared>>
          %dma_wait3A_53 = arith.constant 9480 : i32
          %dma_wait3A_54 = arith.constant 0 : i32
          %dma_wait3A_55 = tpu.memref_slice %arg5[%dma_wait3A_53, %dma_wait3A_54] : memref<10000x128xf32, #tpu.memory_space<hbm>> -> memref<520x128xf32, #tpu.memory_space<hbm>>
          tpu.wait_dma2 semaphore(%run_scoped3A : memref<!tpu.dma_semaphore, #tpu.memory_space<semaphore_mem>>) src(%dma_wait3A_55 : memref<520x128xf32, #tpu.memory_space<hbm>>) dst(%dma_wait3A_52 : memref<520x128xf32, #tpu.memory_space<vmem_shared>>)
          tpu.yield
        }) : () -> ()
      } else {
      }
    } else {
    }
    %barrier3A = arith.constant 0 : index
    tpu.barrier barrier_id(%barrier3A)
    %mul3A_8 = arith.constant 10000 : i32
    %mul3A_9 = arith.muli %add3A, %mul3A_8 : i32
    %scan3A = arith.constant 0 : i32
    %scan3A_10 = arith.constant 0 : i32
    %scan3A_11 = arith.constant 78 : i32
    %scan3A_12 = arith.addi %scan3A_10, %scan3A_11 : i32
    %scan3A_13 = arith.constant 1 : i32
    scf.for %scan3A_32 = %scan3A_10 to %scan3A_12 step %scan3A_13  : i32 {
      %mul3A_33 = arith.constant 128 : i32
      %mul3A_34 = arith.muli %scan3A_32, %mul3A_33 : i32
      %add3A_35 = arith.addi %mul3A_9, %mul3A_34 : i32
      %multiple_of3A_36 = tpu.assume_multiple %add3A_35, 8 : i32
      "tpu.region"() ({
        %run_scoped3A = tpu.sem_alloc : memref<!tpu.dma_semaphore, #tpu.memory_space<semaphore_mem>>
        %dma_start3A_43 = tpu.memref_slice %arg3[%multiple_of3A_36] : memref<320000xi32, #tpu.memory_space<hbm>> -> memref<128xi32, #tpu.memory_space<hbm>>
        %dma_start3A_44 = tpu.memref_slice %arg3[%multiple_of3A_36] : memref<320000xi32, #tpu.memory_space<hbm>> -> memref<128xi32, #tpu.memory_space<hbm>>
        tpu.enqueue_dma source(%dma_start3A_44 : memref<128xi32, #tpu.memory_space<hbm>>) target(%arg8 : memref<128xi32, #tpu.memory_space<vmem>>) target_semaphore(%run_scoped3A : memref<!tpu.dma_semaphore, #tpu.memory_space<semaphore_mem>>)
        %dma_wait3A_45 = tpu.memref_slice %arg3[%multiple_of3A_36] : memref<320000xi32, #tpu.memory_space<hbm>> -> memref<128xi32, #tpu.memory_space<hbm>>
        %dma_wait3A_46 = tpu.memref_slice %arg3[%multiple_of3A_36] : memref<320000xi32, #tpu.memory_space<hbm>> -> memref<128xi32, #tpu.memory_space<hbm>>
        tpu.wait_dma2 semaphore(%run_scoped3A : memref<!tpu.dma_semaphore, #tpu.memory_space<semaphore_mem>>) src(%dma_wait3A_46 : memref<128xi32, #tpu.memory_space<hbm>>) dst(%arg8 : memref<128xi32, #tpu.memory_space<vmem>>)
        tpu.yield
      }) : () -> ()
      "tpu.region"() ({
        %run_scoped3A = tpu.sem_alloc : memref<!tpu.dma_semaphore, #tpu.memory_space<semaphore_mem>>
        %dma_start3A_43 = tpu.memref_slice %arg4[%multiple_of3A_36] : memref<320000xi32, #tpu.memory_space<hbm>> -> memref<128xi32, #tpu.memory_space<hbm>>
        %dma_start3A_44 = tpu.memref_slice %arg4[%multiple_of3A_36] : memref<320000xi32, #tpu.memory_space<hbm>> -> memref<128xi32, #tpu.memory_space<hbm>>
        tpu.enqueue_dma source(%dma_start3A_44 : memref<128xi32, #tpu.memory_space<hbm>>) target(%arg9 : memref<128xi32, #tpu.memory_space<vmem>>) target_semaphore(%run_scoped3A : memref<!tpu.dma_semaphore, #tpu.memory_space<semaphore_mem>>)
        %dma_wait3A_45 = tpu.memref_slice %arg4[%multiple_of3A_36] : memref<320000xi32, #tpu.memory_space<hbm>> -> memref<128xi32, #tpu.memory_space<hbm>>
        %dma_wait3A_46 = tpu.memref_slice %arg4[%multiple_of3A_36] : memref<320000xi32, #tpu.memory_space<hbm>> -> memref<128xi32, #tpu.memory_space<hbm>>
        tpu.wait_dma2 semaphore(%run_scoped3A : memref<!tpu.dma_semaphore, #tpu.memory_space<semaphore_mem>>) src(%dma_wait3A_46 : memref<128xi32, #tpu.memory_space<hbm>>) dst(%arg9 : memref<128xi32, #tpu.memory_space<vmem>>)
        tpu.yield
      }) : () -> ()
      %dma_start3A_37 = arith.constant 0 : i32
      %dma_start3A_38 = arith.constant 0 : i32
      %dma_start3A_39 = tpu.memref_slice %arg2[%dma_start3A_37, %dma_start3A_38] : memref<10000x128xf32, #tpu.memory_space<hbm>> -> memref<10000x128xf32, #tpu.memory_space<hbm>>
      tpu.enqueue_indirect_dma source(%dma_start3A_39 : memref<10000x128xf32, #tpu.memory_space<hbm>>) target(%arg12 : memref<128x128xf32, #tpu.memory_space<vmem>>) offsets(%arg8 : memref<128xi32, #tpu.memory_space<vmem>>) semaphore(%arg15 : memref<!tpu.dma_semaphore, #tpu.memory_space<semaphore_mem>>)
      %dma_wait3A_40 = arith.constant 0 : i32
      %dma_wait3A_41 = arith.constant 0 : i32
      %dma_wait3A_42 = tpu.memref_slice %arg2[%dma_wait3A_40, %dma_wait3A_41] : memref<10000x128xf32, #tpu.memory_space<hbm>> -> memref<10000x128xf32, #tpu.memory_space<hbm>>
      tpu.wait_indirect_dma semaphore(%arg15 : memref<!tpu.dma_semaphore, #tpu.memory_space<semaphore_mem>>) src(%dma_wait3A_42 : memref<10000x128xf32, #tpu.memory_space<hbm>>) dst(%arg12 : memref<128x128xf32, #tpu.memory_space<vmem>>)
      "tpu.region"() ({
        %run_scoped3A = tpu.sem_alloc : memref<!tpu.dma_semaphore, #tpu.memory_space<semaphore_mem>>
        %dma_start3A_43 = arith.constant 0 : i32
        %dma_start3A_44 = arith.constant 0 : i32
        %dma_start3A_45 = tpu.memref_slice %arg14[%dma_start3A_43, %dma_start3A_44] : memref<10000x128xf32, #tpu.memory_space<vmem_shared>> -> memref<10000x128xf32, #tpu.memory_space<vmem_shared>>
        tpu.enqueue_indirect_dma source(%arg12 : memref<128x128xf32, #tpu.memory_space<vmem>>) target(%dma_start3A_45 : memref<10000x128xf32, #tpu.memory_space<vmem_shared>>) offsets(%arg9 : memref<128xi32, #tpu.memory_space<vmem>>) semaphore(%run_scoped3A : memref<!tpu.dma_semaphore, #tpu.memory_space<semaphore_mem>>) {add = true}
        %dma_wait3A_46 = arith.constant 0 : i32
        %dma_wait3A_47 = arith.constant 0 : i32
        %dma_wait3A_48 = tpu.memref_slice %arg14[%dma_wait3A_46, %dma_wait3A_47] : memref<10000x128xf32, #tpu.memory_space<vmem_shared>> -> memref<10000x128xf32, #tpu.memory_space<vmem_shared>>
        tpu.wait_indirect_dma semaphore(%run_scoped3A : memref<!tpu.dma_semaphore, #tpu.memory_space<semaphore_mem>>) src(%arg12 : memref<128x128xf32, #tpu.memory_space<vmem>>) dst(%dma_wait3A_48 : memref<10000x128xf32, #tpu.memory_space<vmem_shared>>)
        tpu.yield
      }) : () -> ()
    }
    %scan3A_14 = arith.constant 78 : i32
    %add3A_15 = arith.constant 9984 : i32
    %add3A_16 = arith.addi %mul3A_9, %add3A_15 : i32
    %multiple_of3A = tpu.assume_multiple %add3A_16, 8 : i32
    "tpu.region"() ({
      %run_scoped3A = tpu.sem_alloc : memref<!tpu.dma_semaphore, #tpu.memory_space<semaphore_mem>>
      %dma_start3A_32 = tpu.memref_slice %arg3[%multiple_of3A] : memref<320000xi32, #tpu.memory_space<hbm>> -> memref<16xi32, #tpu.memory_space<hbm>>
      %dma_start3A_33 = tpu.memref_slice %arg3[%multiple_of3A] : memref<320000xi32, #tpu.memory_space<hbm>> -> memref<16xi32, #tpu.memory_space<hbm>>
      tpu.enqueue_dma source(%dma_start3A_33 : memref<16xi32, #tpu.memory_space<hbm>>) target(%arg10 : memref<16xi32, #tpu.memory_space<vmem>>) target_semaphore(%run_scoped3A : memref<!tpu.dma_semaphore, #tpu.memory_space<semaphore_mem>>)
      %dma_wait3A_34 = tpu.memref_slice %arg3[%multiple_of3A] : memref<320000xi32, #tpu.memory_space<hbm>> -> memref<16xi32, #tpu.memory_space<hbm>>
      %dma_wait3A_35 = tpu.memref_slice %arg3[%multiple_of3A] : memref<320000xi32, #tpu.memory_space<hbm>> -> memref<16xi32, #tpu.memory_space<hbm>>
      tpu.wait_dma2 semaphore(%run_scoped3A : memref<!tpu.dma_semaphore, #tpu.memory_space<semaphore_mem>>) src(%dma_wait3A_35 : memref<16xi32, #tpu.memory_space<hbm>>) dst(%arg10 : memref<16xi32, #tpu.memory_space<vmem>>)
      tpu.yield
    }) : () -> ()
    "tpu.region"() ({
      %run_scoped3A = tpu.sem_alloc : memref<!tpu.dma_semaphore, #tpu.memory_space<semaphore_mem>>
      %dma_start3A_32 = tpu.memref_slice %arg4[%multiple_of3A] : memref<320000xi32, #tpu.memory_space<hbm>> -> memref<16xi32, #tpu.memory_space<hbm>>
      %dma_start3A_33 = tpu.memref_slice %arg4[%multiple_of3A] : memref<320000xi32, #tpu.memory_space<hbm>> -> memref<16xi32, #tpu.memory_space<hbm>>
      tpu.enqueue_dma source(%dma_start3A_33 : memref<16xi32, #tpu.memory_space<hbm>>) target(%arg11 : memref<16xi32, #tpu.memory_space<vmem>>) target_semaphore(%run_scoped3A : memref<!tpu.dma_semaphore, #tpu.memory_space<semaphore_mem>>)
      %dma_wait3A_34 = tpu.memref_slice %arg4[%multiple_of3A] : memref<320000xi32, #tpu.memory_space<hbm>> -> memref<16xi32, #tpu.memory_space<hbm>>
      %dma_wait3A_35 = tpu.memref_slice %arg4[%multiple_of3A] : memref<320000xi32, #tpu.memory_space<hbm>> -> memref<16xi32, #tpu.memory_space<hbm>>
      tpu.wait_dma2 semaphore(%run_scoped3A : memref<!tpu.dma_semaphore, #tpu.memory_space<semaphore_mem>>) src(%dma_wait3A_35 : memref<16xi32, #tpu.memory_space<hbm>>) dst(%arg11 : memref<16xi32, #tpu.memory_space<vmem>>)
      tpu.yield
    }) : () -> ()
    %dma_start3A = arith.constant 0 : i32
    %dma_start3A_17 = arith.constant 0 : i32
    %dma_start3A_18 = tpu.memref_slice %arg2[%dma_start3A, %dma_start3A_17] : memref<10000x128xf32, #tpu.memory_space<hbm>> -> memref<10000x128xf32, #tpu.memory_space<hbm>>
    tpu.enqueue_indirect_dma source(%dma_start3A_18 : memref<10000x128xf32, #tpu.memory_space<hbm>>) target(%arg13 : memref<16x128xf32, #tpu.memory_space<vmem>>) offsets(%arg10 : memref<16xi32, #tpu.memory_space<vmem>>) semaphore(%arg15 : memref<!tpu.dma_semaphore, #tpu.memory_space<semaphore_mem>>)
    %dma_wait3A = arith.constant 0 : i32
    %dma_wait3A_19 = arith.constant 0 : i32
    %dma_wait3A_20 = tpu.memref_slice %arg2[%dma_wait3A, %dma_wait3A_19] : memref<10000x128xf32, #tpu.memory_space<hbm>> -> memref<10000x128xf32, #tpu.memory_space<hbm>>
    tpu.wait_indirect_dma semaphore(%arg15 : memref<!tpu.dma_semaphore, #tpu.memory_space<semaphore_mem>>) src(%dma_wait3A_20 : memref<10000x128xf32, #tpu.memory_space<hbm>>) dst(%arg13 : memref<16x128xf32, #tpu.memory_space<vmem>>)
    "tpu.region"() ({
      %run_scoped3A = tpu.sem_alloc : memref<!tpu.dma_semaphore, #tpu.memory_space<semaphore_mem>>
      %dma_start3A_32 = arith.constant 0 : i32
      %dma_start3A_33 = arith.constant 0 : i32
      %dma_start3A_34 = tpu.memref_slice %arg14[%dma_start3A_32, %dma_start3A_33] : memref<10000x128xf32, #tpu.memory_space<vmem_shared>> -> memref<10000x128xf32, #tpu.memory_space<vmem_shared>>
      tpu.enqueue_indirect_dma source(%arg13 : memref<16x128xf32, #tpu.memory_space<vmem>>) target(%dma_start3A_34 : memref<10000x128xf32, #tpu.memory_space<vmem_shared>>) offsets(%arg11 : memref<16xi32, #tpu.memory_space<vmem>>) semaphore(%run_scoped3A : memref<!tpu.dma_semaphore, #tpu.memory_space<semaphore_mem>>) {add = true}
      %dma_wait3A_35 = arith.constant 0 : i32
      %dma_wait3A_36 = arith.constant 0 : i32
      %dma_wait3A_37 = tpu.memref_slice %arg14[%dma_wait3A_35, %dma_wait3A_36] : memref<10000x128xf32, #tpu.memory_space<vmem_shared>> -> memref<10000x128xf32, #tpu.memory_space<vmem_shared>>
      tpu.wait_indirect_dma semaphore(%run_scoped3A : memref<!tpu.dma_semaphore, #tpu.memory_space<semaphore_mem>>) src(%arg13 : memref<16x128xf32, #tpu.memory_space<vmem>>) dst(%dma_wait3A_37 : memref<10000x128xf32, #tpu.memory_space<vmem_shared>>)
      tpu.yield
    }) : () -> ()
    %barrier3A_21 = arith.constant 0 : index
    tpu.barrier barrier_id(%barrier3A_21)
    %eq3A_22 = arith.constant 0 : i32
    %eq3A_23 = arith.cmpi eq, %arg0, %eq3A_22 : i32
    %convert_element_type3A_24 = arith.extui %eq3A_23 : i1 to i32
    %cond3A_25 = arith.constant 0 : i32
    %cond3A_26 = arith.cmpi ne, %convert_element_type3A_24, %cond3A_25 : i32
    scf.if %cond3A_26 {
      %mul3A_32 = arith.constant 632 : i32
      %mul3A_33 = arith.muli %arg1, %mul3A_32 : i32
      %multiple_of3A_34 = tpu.assume_multiple %mul3A_33, 8 : i32
      %lt3A = arith.constant 15 : i32
      %lt3A_35 = arith.cmpi slt, %arg1, %lt3A : i32
      %convert_element_type3A_36 = arith.extui %lt3A_35 : i1 to i32
      %cond3A_37 = arith.constant 0 : i32
      %cond3A_38 = arith.cmpi ne, %convert_element_type3A_36, %cond3A_37 : i32
      scf.if %cond3A_38 {
        "tpu.region"() ({
          %run_scoped3A = tpu.sem_alloc : memref<!tpu.dma_semaphore, #tpu.memory_space<semaphore_mem>>
          %dma_start3A_44 = arith.constant 0 : i32
          %dma_start3A_45 = tpu.memref_slice %arg6[%multiple_of3A_34, %dma_start3A_44] : memref<10000x128xf32, #tpu.memory_space<hbm>> -> memref<632x128xf32, #tpu.memory_space<hbm>>
          %dma_start3A_46 = arith.constant 0 : i32
          %dma_start3A_47 = tpu.memref_slice %arg14[%multiple_of3A_34, %dma_start3A_46] : memref<10000x128xf32, #tpu.memory_space<vmem_shared>> -> memref<632x128xf32, #tpu.memory_space<vmem_shared>>
          tpu.enqueue_dma source(%dma_start3A_47 : memref<632x128xf32, #tpu.memory_space<vmem_shared>>) target(%dma_start3A_45 : memref<632x128xf32, #tpu.memory_space<hbm>>) target_semaphore(%run_scoped3A : memref<!tpu.dma_semaphore, #tpu.memory_space<semaphore_mem>>)
          %dma_wait3A_48 = arith.constant 0 : i32
          %dma_wait3A_49 = tpu.memref_slice %arg6[%multiple_of3A_34, %dma_wait3A_48] : memref<10000x128xf32, #tpu.memory_space<hbm>> -> memref<632x128xf32, #tpu.memory_space<hbm>>
          %dma_wait3A_50 = arith.constant 0 : i32
          %dma_wait3A_51 = tpu.memref_slice %arg14[%multiple_of3A_34, %dma_wait3A_50] : memref<10000x128xf32, #tpu.memory_space<vmem_shared>> -> memref<632x128xf32, #tpu.memory_space<vmem_shared>>
          tpu.wait_dma2 semaphore(%run_scoped3A : memref<!tpu.dma_semaphore, #tpu.memory_space<semaphore_mem>>) src(%dma_wait3A_51 : memref<632x128xf32, #tpu.memory_space<vmem_shared>>) dst(%dma_wait3A_49 : memref<632x128xf32, #tpu.memory_space<hbm>>)
          tpu.yield
        }) : () -> ()
      } else {
      }
      %eq3A_39 = arith.constant 15 : i32
      %eq3A_40 = arith.cmpi eq, %arg1, %eq3A_39 : i32
      %convert_element_type3A_41 = arith.extui %eq3A_40 : i1 to i32
      %cond3A_42 = arith.constant 0 : i32
      %cond3A_43 = arith.cmpi ne, %convert_element_type3A_41, %cond3A_42 : i32
      scf.if %cond3A_43 {
        "tpu.region"() ({
          %run_scoped3A = tpu.sem_alloc : memref<!tpu.dma_semaphore, #tpu.memory_space<semaphore_mem>>
          %dma_start3A_44 = arith.constant 9480 : i32
          %dma_start3A_45 = arith.constant 0 : i32
          %dma_start3A_46 = tpu.memref_slice %arg6[%dma_start3A_44, %dma_start3A_45] : memref<10000x128xf32, #tpu.memory_space<hbm>> -> memref<520x128xf32, #tpu.memory_space<hbm>>
          %dma_start3A_47 = arith.constant 9480 : i32
          %dma_start3A_48 = arith.constant 0 : i32
          %dma_start3A_49 = tpu.memref_slice %arg14[%dma_start3A_47, %dma_start3A_48] : memref<10000x128xf32, #tpu.memory_space<vmem_shared>> -> memref<520x128xf32, #tpu.memory_space<vmem_shared>>
          tpu.enqueue_dma source(%dma_start3A_49 : memref<520x128xf32, #tpu.memory_space<vmem_shared>>) target(%dma_start3A_46 : memref<520x128xf32, #tpu.memory_space<hbm>>) target_semaphore(%run_scoped3A : memref<!tpu.dma_semaphore, #tpu.memory_space<semaphore_mem>>)
          %dma_wait3A_50 = arith.constant 9480 : i32
          %dma_wait3A_51 = arith.constant 0 : i32
          %dma_wait3A_52 = tpu.memref_slice %arg6[%dma_wait3A_50, %dma_wait3A_51] : memref<10000x128xf32, #tpu.memory_space<hbm>> -> memref<520x128xf32, #tpu.memory_space<hbm>>
          %dma_wait3A_53 = arith.constant 9480 : i32
          %dma_wait3A_54 = arith.constant 0 : i32
          %dma_wait3A_55 = tpu.memref_slice %arg14[%dma_wait3A_53, %dma_wait3A_54] : memref<10000x128xf32, #tpu.memory_space<vmem_shared>> -> memref<520x128xf32, #tpu.memory_space<vmem_shared>>
          tpu.wait_dma2 semaphore(%run_scoped3A : memref<!tpu.dma_semaphore, #tpu.memory_space<semaphore_mem>>) src(%dma_wait3A_55 : memref<520x128xf32, #tpu.memory_space<vmem_shared>>) dst(%dma_wait3A_52 : memref<520x128xf32, #tpu.memory_space<hbm>>)
          tpu.yield
        }) : () -> ()
      } else {
      }
    } else {
    }
    %eq3A_27 = arith.constant 1 : i32
    %eq3A_28 = arith.cmpi eq, %arg0, %eq3A_27 : i32
    %convert_element_type3A_29 = arith.extui %eq3A_28 : i1 to i32
    %cond3A_30 = arith.constant 0 : i32
    %cond3A_31 = arith.cmpi ne, %convert_element_type3A_29, %cond3A_30 : i32
    scf.if %cond3A_31 {
      %mul3A_32 = arith.constant 632 : i32
      %mul3A_33 = arith.muli %arg1, %mul3A_32 : i32
      %multiple_of3A_34 = tpu.assume_multiple %mul3A_33, 8 : i32
      %lt3A = arith.constant 15 : i32
      %lt3A_35 = arith.cmpi slt, %arg1, %lt3A : i32
      %convert_element_type3A_36 = arith.extui %lt3A_35 : i1 to i32
      %cond3A_37 = arith.constant 0 : i32
      %cond3A_38 = arith.cmpi ne, %convert_element_type3A_36, %cond3A_37 : i32
      scf.if %cond3A_38 {
        "tpu.region"() ({
          %run_scoped3A = tpu.sem_alloc : memref<!tpu.dma_semaphore, #tpu.memory_space<semaphore_mem>>
          %dma_start3A_44 = arith.constant 0 : i32
          %dma_start3A_45 = tpu.memref_slice %arg7[%multiple_of3A_34, %dma_start3A_44] : memref<10000x128xf32, #tpu.memory_space<hbm>> -> memref<632x128xf32, #tpu.memory_space<hbm>>
          %dma_start3A_46 = arith.constant 0 : i32
          %dma_start3A_47 = tpu.memref_slice %arg14[%multiple_of3A_34, %dma_start3A_46] : memref<10000x128xf32, #tpu.memory_space<vmem_shared>> -> memref<632x128xf32, #tpu.memory_space<vmem_shared>>
          tpu.enqueue_dma source(%dma_start3A_47 : memref<632x128xf32, #tpu.memory_space<vmem_shared>>) target(%dma_start3A_45 : memref<632x128xf32, #tpu.memory_space<hbm>>) target_semaphore(%run_scoped3A : memref<!tpu.dma_semaphore, #tpu.memory_space<semaphore_mem>>)
          %dma_wait3A_48 = arith.constant 0 : i32
          %dma_wait3A_49 = tpu.memref_slice %arg7[%multiple_of3A_34, %dma_wait3A_48] : memref<10000x128xf32, #tpu.memory_space<hbm>> -> memref<632x128xf32, #tpu.memory_space<hbm>>
          %dma_wait3A_50 = arith.constant 0 : i32
          %dma_wait3A_51 = tpu.memref_slice %arg14[%multiple_of3A_34, %dma_wait3A_50] : memref<10000x128xf32, #tpu.memory_space<vmem_shared>> -> memref<632x128xf32, #tpu.memory_space<vmem_shared>>
          tpu.wait_dma2 semaphore(%run_scoped3A : memref<!tpu.dma_semaphore, #tpu.memory_space<semaphore_mem>>) src(%dma_wait3A_51 : memref<632x128xf32, #tpu.memory_space<vmem_shared>>) dst(%dma_wait3A_49 : memref<632x128xf32, #tpu.memory_space<hbm>>)
          tpu.yield
        }) : () -> ()
      } else {
      }
      %eq3A_39 = arith.constant 15 : i32
      %eq3A_40 = arith.cmpi eq, %arg1, %eq3A_39 : i32
      %convert_element_type3A_41 = arith.extui %eq3A_40 : i1 to i32
      %cond3A_42 = arith.constant 0 : i32
      %cond3A_43 = arith.cmpi ne, %convert_element_type3A_41, %cond3A_42 : i32
      scf.if %cond3A_43 {
        "tpu.region"() ({
          %run_scoped3A = tpu.sem_alloc : memref<!tpu.dma_semaphore, #tpu.memory_space<semaphore_mem>>
          %dma_start3A_44 = arith.constant 9480 : i32
          %dma_start3A_45 = arith.constant 0 : i32
          %dma_start3A_46 = tpu.memref_slice %arg7[%dma_start3A_44, %dma_start3A_45] : memref<10000x128xf32, #tpu.memory_space<hbm>> -> memref<520x128xf32, #tpu.memory_space<hbm>>
          %dma_start3A_47 = arith.constant 9480 : i32
          %dma_start3A_48 = arith.constant 0 : i32
          %dma_start3A_49 = tpu.memref_slice %arg14[%dma_start3A_47, %dma_start3A_48] : memref<10000x128xf32, #tpu.memory_space<vmem_shared>> -> memref<520x128xf32, #tpu.memory_space<vmem_shared>>
          tpu.enqueue_dma source(%dma_start3A_49 : memref<520x128xf32, #tpu.memory_space<vmem_shared>>) target(%dma_start3A_46 : memref<520x128xf32, #tpu.memory_space<hbm>>) target_semaphore(%run_scoped3A : memref<!tpu.dma_semaphore, #tpu.memory_space<semaphore_mem>>)
          %dma_wait3A_50 = arith.constant 9480 : i32
          %dma_wait3A_51 = arith.constant 0 : i32
          %dma_wait3A_52 = tpu.memref_slice %arg7[%dma_wait3A_50, %dma_wait3A_51] : memref<10000x128xf32, #tpu.memory_space<hbm>> -> memref<520x128xf32, #tpu.memory_space<hbm>>
          %dma_wait3A_53 = arith.constant 9480 : i32
          %dma_wait3A_54 = arith.constant 0 : i32
          %dma_wait3A_55 = tpu.memref_slice %arg14[%dma_wait3A_53, %dma_wait3A_54] : memref<10000x128xf32, #tpu.memory_space<vmem_shared>> -> memref<520x128xf32, #tpu.memory_space<vmem_shared>>
          tpu.wait_dma2 semaphore(%run_scoped3A : memref<!tpu.dma_semaphore, #tpu.memory_space<semaphore_mem>>) src(%dma_wait3A_55 : memref<520x128xf32, #tpu.memory_space<vmem_shared>>) dst(%dma_wait3A_52 : memref<520x128xf32, #tpu.memory_space<hbm>>)
          tpu.yield
        }) : () -> ()
      } else {
      }
    } else {
    }
    return
  }
}

#map = affine_map<(d0, d1) -> (0)>
#map1 = affine_map<(d0, d1) -> (0, 0)>
module attributes {stable_mosaic.version = 14 : i64} {
  func.func @_deg_kernel(%arg0: i32, %arg1: i32, %arg2: memref<320000xi32, #tpu.memory_space<hbm>>, %arg3: memref<10000x128xf32, #tpu.memory_space<hbm>>, %arg4: memref<128x128xf32, #tpu.memory_space<hbm>>, %arg5: memref<10000x128xf32, #tpu.memory_space<hbm>>, %arg6: memref<10000x128xf32, #tpu.memory_space<hbm>>, %arg7: memref<128xi32, #tpu.memory_space<vmem>>, %arg8: memref<16xi32, #tpu.memory_space<vmem>>, %arg9: memref<128x128xf32, #tpu.memory_space<vmem>>, %arg10: memref<10000x128xf32, #tpu.memory_space<vmem_shared>>) attributes {dimension_semantics = [#tpu.dimension_semantics<core_parallel>, #tpu.dimension_semantics<subcore_parallel>], iteration_bounds = array<i64: 2, 16>, scalar_prefetch = 0 : i64, scratch_operands = 4 : i64, tpu.core_type = #tpu.core_type<sc_vector_subcore>, window_params = [{transform_indices = #map}, {transform_indices = #map1}, {transform_indices = #map1}, {transform_indices = #map1}, {transform_indices = #map1}]} {
    %mul3A = arith.constant 16 : i32
    %mul3A_0 = arith.muli %arg0, %mul3A : i32
    %add3A = arith.addi %mul3A_0, %arg1 : i32
    %mul3A_1 = arith.constant 632 : i32
    %mul3A_2 = arith.muli %arg1, %mul3A_1 : i32
    %multiple_of3A = tpu.assume_multiple %mul3A_2, 8 : i32
    %lt3A = arith.constant 15 : i32
    %lt3A_3 = arith.cmpi slt, %arg1, %lt3A : i32
    %convert_element_type3A = arith.extui %lt3A_3 : i1 to i32
    %cond3A = arith.constant 0 : i32
    %cond3A_4 = arith.cmpi ne, %convert_element_type3A, %cond3A : i32
    scf.if %cond3A_4 {
      "tpu.region"() ({
        %run_scoped3A = tpu.sem_alloc : memref<!tpu.dma_semaphore, #tpu.memory_space<semaphore_mem>>
        %dma_start3A = arith.constant 0 : i32
        %dma_start3A_30 = tpu.memref_slice %arg10[%multiple_of3A, %dma_start3A] : memref<10000x128xf32, #tpu.memory_space<vmem_shared>> -> memref<632x128xf32, #tpu.memory_space<vmem_shared>>
        %dma_start3A_31 = arith.constant 0 : i32
        %dma_start3A_32 = tpu.memref_slice %arg3[%multiple_of3A, %dma_start3A_31] : memref<10000x128xf32, #tpu.memory_space<hbm>> -> memref<632x128xf32, #tpu.memory_space<hbm>>
        tpu.enqueue_dma source(%dma_start3A_32 : memref<632x128xf32, #tpu.memory_space<hbm>>) target(%dma_start3A_30 : memref<632x128xf32, #tpu.memory_space<vmem_shared>>) target_semaphore(%run_scoped3A : memref<!tpu.dma_semaphore, #tpu.memory_space<semaphore_mem>>)
        %dma_wait3A = arith.constant 0 : i32
        %dma_wait3A_33 = tpu.memref_slice %arg10[%multiple_of3A, %dma_wait3A] : memref<10000x128xf32, #tpu.memory_space<vmem_shared>> -> memref<632x128xf32, #tpu.memory_space<vmem_shared>>
        %dma_wait3A_34 = arith.constant 0 : i32
        %dma_wait3A_35 = tpu.memref_slice %arg3[%multiple_of3A, %dma_wait3A_34] : memref<10000x128xf32, #tpu.memory_space<hbm>> -> memref<632x128xf32, #tpu.memory_space<hbm>>
        tpu.wait_dma2 semaphore(%run_scoped3A : memref<!tpu.dma_semaphore, #tpu.memory_space<semaphore_mem>>) src(%dma_wait3A_35 : memref<632x128xf32, #tpu.memory_space<hbm>>) dst(%dma_wait3A_33 : memref<632x128xf32, #tpu.memory_space<vmem_shared>>)
        tpu.yield
      }) : () -> ()
    } else {
    }
    %eq3A = arith.constant 15 : i32
    %eq3A_5 = arith.cmpi eq, %arg1, %eq3A : i32
    %convert_element_type3A_6 = arith.extui %eq3A_5 : i1 to i32
    %cond3A_7 = arith.constant 0 : i32
    %cond3A_8 = arith.cmpi ne, %convert_element_type3A_6, %cond3A_7 : i32
    scf.if %cond3A_8 {
      "tpu.region"() ({
        %run_scoped3A = tpu.sem_alloc : memref<!tpu.dma_semaphore, #tpu.memory_space<semaphore_mem>>
        %dma_start3A = arith.constant 9480 : i32
        %dma_start3A_30 = arith.constant 0 : i32
        %dma_start3A_31 = tpu.memref_slice %arg10[%dma_start3A, %dma_start3A_30] : memref<10000x128xf32, #tpu.memory_space<vmem_shared>> -> memref<520x128xf32, #tpu.memory_space<vmem_shared>>
        %dma_start3A_32 = arith.constant 9480 : i32
        %dma_start3A_33 = arith.constant 0 : i32
        %dma_start3A_34 = tpu.memref_slice %arg3[%dma_start3A_32, %dma_start3A_33] : memref<10000x128xf32, #tpu.memory_space<hbm>> -> memref<520x128xf32, #tpu.memory_space<hbm>>
        tpu.enqueue_dma source(%dma_start3A_34 : memref<520x128xf32, #tpu.memory_space<hbm>>) target(%dma_start3A_31 : memref<520x128xf32, #tpu.memory_space<vmem_shared>>) target_semaphore(%run_scoped3A : memref<!tpu.dma_semaphore, #tpu.memory_space<semaphore_mem>>)
        %dma_wait3A = arith.constant 9480 : i32
        %dma_wait3A_35 = arith.constant 0 : i32
        %dma_wait3A_36 = tpu.memref_slice %arg10[%dma_wait3A, %dma_wait3A_35] : memref<10000x128xf32, #tpu.memory_space<vmem_shared>> -> memref<520x128xf32, #tpu.memory_space<vmem_shared>>
        %dma_wait3A_37 = arith.constant 9480 : i32
        %dma_wait3A_38 = arith.constant 0 : i32
        %dma_wait3A_39 = tpu.memref_slice %arg3[%dma_wait3A_37, %dma_wait3A_38] : memref<10000x128xf32, #tpu.memory_space<hbm>> -> memref<520x128xf32, #tpu.memory_space<hbm>>
        tpu.wait_dma2 semaphore(%run_scoped3A : memref<!tpu.dma_semaphore, #tpu.memory_space<semaphore_mem>>) src(%dma_wait3A_39 : memref<520x128xf32, #tpu.memory_space<hbm>>) dst(%dma_wait3A_36 : memref<520x128xf32, #tpu.memory_space<vmem_shared>>)
        tpu.yield
      }) : () -> ()
    } else {
    }
    "tpu.region"() ({
      %run_scoped3A = tpu.sem_alloc : memref<!tpu.dma_semaphore, #tpu.memory_space<semaphore_mem>>
      tpu.enqueue_dma source(%arg4 : memref<128x128xf32, #tpu.memory_space<hbm>>) target(%arg9 : memref<128x128xf32, #tpu.memory_space<vmem>>) target_semaphore(%run_scoped3A : memref<!tpu.dma_semaphore, #tpu.memory_space<semaphore_mem>>)
      tpu.wait_dma2 semaphore(%run_scoped3A : memref<!tpu.dma_semaphore, #tpu.memory_space<semaphore_mem>>) src(%arg4 : memref<128x128xf32, #tpu.memory_space<hbm>>) dst(%arg9 : memref<128x128xf32, #tpu.memory_space<vmem>>)
      tpu.yield
    }) : () -> ()
    %barrier3A = arith.constant 0 : index
    tpu.barrier barrier_id(%barrier3A)
    %mul3A_9 = arith.constant 10000 : i32
    %mul3A_10 = arith.muli %add3A, %mul3A_9 : i32
    %scan3A = arith.constant 0 : i32
    %scan3A_11 = arith.constant 0 : i32
    %scan3A_12 = arith.constant 78 : i32
    %scan3A_13 = arith.addi %scan3A_11, %scan3A_12 : i32
    %scan3A_14 = arith.constant 1 : i32
    scf.for %scan3A_30 = %scan3A_11 to %scan3A_13 step %scan3A_14  : i32 {
      %mul3A_31 = arith.constant 128 : i32
      %mul3A_32 = arith.muli %scan3A_30, %mul3A_31 : i32
      %add3A_33 = arith.addi %mul3A_10, %mul3A_32 : i32
      %multiple_of3A_34 = tpu.assume_multiple %add3A_33, 8 : i32
      "tpu.region"() ({
        %run_scoped3A = tpu.sem_alloc : memref<!tpu.dma_semaphore, #tpu.memory_space<semaphore_mem>>
        %dma_start3A = tpu.memref_slice %arg2[%multiple_of3A_34] : memref<320000xi32, #tpu.memory_space<hbm>> -> memref<128xi32, #tpu.memory_space<hbm>>
        %dma_start3A_35 = tpu.memref_slice %arg2[%multiple_of3A_34] : memref<320000xi32, #tpu.memory_space<hbm>> -> memref<128xi32, #tpu.memory_space<hbm>>
        tpu.enqueue_dma source(%dma_start3A_35 : memref<128xi32, #tpu.memory_space<hbm>>) target(%arg7 : memref<128xi32, #tpu.memory_space<vmem>>) target_semaphore(%run_scoped3A : memref<!tpu.dma_semaphore, #tpu.memory_space<semaphore_mem>>)
        %dma_wait3A = tpu.memref_slice %arg2[%multiple_of3A_34] : memref<320000xi32, #tpu.memory_space<hbm>> -> memref<128xi32, #tpu.memory_space<hbm>>
        %dma_wait3A_36 = tpu.memref_slice %arg2[%multiple_of3A_34] : memref<320000xi32, #tpu.memory_space<hbm>> -> memref<128xi32, #tpu.memory_space<hbm>>
        tpu.wait_dma2 semaphore(%run_scoped3A : memref<!tpu.dma_semaphore, #tpu.memory_space<semaphore_mem>>) src(%dma_wait3A_36 : memref<128xi32, #tpu.memory_space<hbm>>) dst(%arg7 : memref<128xi32, #tpu.memory_space<vmem>>)
        tpu.yield
      }) : () -> ()
      "tpu.region"() ({
        %run_scoped3A = tpu.sem_alloc : memref<!tpu.dma_semaphore, #tpu.memory_space<semaphore_mem>>
        %dma_start3A = arith.constant 0 : i32
        %dma_start3A_35 = arith.constant 0 : i32
        %dma_start3A_36 = tpu.memref_slice %arg10[%dma_start3A, %dma_start3A_35] : memref<10000x128xf32, #tpu.memory_space<vmem_shared>> -> memref<10000x128xf32, #tpu.memory_space<vmem_shared>>
        tpu.enqueue_indirect_dma source(%arg9 : memref<128x128xf32, #tpu.memory_space<vmem>>) target(%dma_start3A_36 : memref<10000x128xf32, #tpu.memory_space<vmem_shared>>) offsets(%arg7 : memref<128xi32, #tpu.memory_space<vmem>>) semaphore(%run_scoped3A : memref<!tpu.dma_semaphore, #tpu.memory_space<semaphore_mem>>) {add = true}
        %dma_wait3A = arith.constant 0 : i32
        %dma_wait3A_37 = arith.constant 0 : i32
        %dma_wait3A_38 = tpu.memref_slice %arg10[%dma_wait3A, %dma_wait3A_37] : memref<10000x128xf32, #tpu.memory_space<vmem_shared>> -> memref<10000x128xf32, #tpu.memory_space<vmem_shared>>
        tpu.wait_indirect_dma semaphore(%run_scoped3A : memref<!tpu.dma_semaphore, #tpu.memory_space<semaphore_mem>>) src(%arg9 : memref<128x128xf32, #tpu.memory_space<vmem>>) dst(%dma_wait3A_38 : memref<10000x128xf32, #tpu.memory_space<vmem_shared>>)
        tpu.yield
      }) : () -> ()
    }
    %scan3A_15 = arith.constant 78 : i32
    %add3A_16 = arith.constant 9984 : i32
    %add3A_17 = arith.addi %mul3A_10, %add3A_16 : i32
    %multiple_of3A_18 = tpu.assume_multiple %add3A_17, 8 : i32
    "tpu.region"() ({
      %run_scoped3A = tpu.sem_alloc : memref<!tpu.dma_semaphore, #tpu.memory_space<semaphore_mem>>
      %dma_start3A = tpu.memref_slice %arg2[%multiple_of3A_18] : memref<320000xi32, #tpu.memory_space<hbm>> -> memref<16xi32, #tpu.memory_space<hbm>>
      %dma_start3A_30 = tpu.memref_slice %arg2[%multiple_of3A_18] : memref<320000xi32, #tpu.memory_space<hbm>> -> memref<16xi32, #tpu.memory_space<hbm>>
      tpu.enqueue_dma source(%dma_start3A_30 : memref<16xi32, #tpu.memory_space<hbm>>) target(%arg8 : memref<16xi32, #tpu.memory_space<vmem>>) target_semaphore(%run_scoped3A : memref<!tpu.dma_semaphore, #tpu.memory_space<semaphore_mem>>)
      %dma_wait3A = tpu.memref_slice %arg2[%multiple_of3A_18] : memref<320000xi32, #tpu.memory_space<hbm>> -> memref<16xi32, #tpu.memory_space<hbm>>
      %dma_wait3A_31 = tpu.memref_slice %arg2[%multiple_of3A_18] : memref<320000xi32, #tpu.memory_space<hbm>> -> memref<16xi32, #tpu.memory_space<hbm>>
      tpu.wait_dma2 semaphore(%run_scoped3A : memref<!tpu.dma_semaphore, #tpu.memory_space<semaphore_mem>>) src(%dma_wait3A_31 : memref<16xi32, #tpu.memory_space<hbm>>) dst(%arg8 : memref<16xi32, #tpu.memory_space<vmem>>)
      tpu.yield
    }) : () -> ()
    "tpu.region"() ({
      %run_scoped3A = tpu.sem_alloc : memref<!tpu.dma_semaphore, #tpu.memory_space<semaphore_mem>>
      %dma_start3A = arith.constant 0 : i32
      %dma_start3A_30 = arith.constant 0 : i32
      %dma_start3A_31 = tpu.memref_slice %arg9[%dma_start3A, %dma_start3A_30] : memref<128x128xf32, #tpu.memory_space<vmem>> -> memref<16x128xf32, #tpu.memory_space<vmem>>
      %dma_start3A_32 = arith.constant 0 : i32
      %dma_start3A_33 = arith.constant 0 : i32
      %dma_start3A_34 = tpu.memref_slice %arg10[%dma_start3A_32, %dma_start3A_33] : memref<10000x128xf32, #tpu.memory_space<vmem_shared>> -> memref<10000x128xf32, #tpu.memory_space<vmem_shared>>
      tpu.enqueue_indirect_dma source(%dma_start3A_31 : memref<16x128xf32, #tpu.memory_space<vmem>>) target(%dma_start3A_34 : memref<10000x128xf32, #tpu.memory_space<vmem_shared>>) offsets(%arg8 : memref<16xi32, #tpu.memory_space<vmem>>) semaphore(%run_scoped3A : memref<!tpu.dma_semaphore, #tpu.memory_space<semaphore_mem>>) {add = true}
      %dma_wait3A = arith.constant 0 : i32
      %dma_wait3A_35 = arith.constant 0 : i32
      %dma_wait3A_36 = tpu.memref_slice %arg9[%dma_wait3A, %dma_wait3A_35] : memref<128x128xf32, #tpu.memory_space<vmem>> -> memref<16x128xf32, #tpu.memory_space<vmem>>
      %dma_wait3A_37 = arith.constant 0 : i32
      %dma_wait3A_38 = arith.constant 0 : i32
      %dma_wait3A_39 = tpu.memref_slice %arg10[%dma_wait3A_37, %dma_wait3A_38] : memref<10000x128xf32, #tpu.memory_space<vmem_shared>> -> memref<10000x128xf32, #tpu.memory_space<vmem_shared>>
      tpu.wait_indirect_dma semaphore(%run_scoped3A : memref<!tpu.dma_semaphore, #tpu.memory_space<semaphore_mem>>) src(%dma_wait3A_36 : memref<16x128xf32, #tpu.memory_space<vmem>>) dst(%dma_wait3A_39 : memref<10000x128xf32, #tpu.memory_space<vmem_shared>>)
      tpu.yield
    }) : () -> ()
    %barrier3A_19 = arith.constant 0 : index
    tpu.barrier barrier_id(%barrier3A_19)
    %eq3A_20 = arith.constant 0 : i32
    %eq3A_21 = arith.cmpi eq, %arg0, %eq3A_20 : i32
    %convert_element_type3A_22 = arith.extui %eq3A_21 : i1 to i32
    %cond3A_23 = arith.constant 0 : i32
    %cond3A_24 = arith.cmpi ne, %convert_element_type3A_22, %cond3A_23 : i32
    scf.if %cond3A_24 {
      %mul3A_30 = arith.constant 632 : i32
      %mul3A_31 = arith.muli %arg1, %mul3A_30 : i32
      %multiple_of3A_32 = tpu.assume_multiple %mul3A_31, 8 : i32
      %lt3A_33 = arith.constant 15 : i32
      %lt3A_34 = arith.cmpi slt, %arg1, %lt3A_33 : i32
      %convert_element_type3A_35 = arith.extui %lt3A_34 : i1 to i32
      %cond3A_36 = arith.constant 0 : i32
      %cond3A_37 = arith.cmpi ne, %convert_element_type3A_35, %cond3A_36 : i32
      scf.if %cond3A_37 {
        "tpu.region"() ({
          %run_scoped3A = tpu.sem_alloc : memref<!tpu.dma_semaphore, #tpu.memory_space<semaphore_mem>>
          %dma_start3A = arith.constant 0 : i32
          %dma_start3A_43 = tpu.memref_slice %arg5[%multiple_of3A_32, %dma_start3A] : memref<10000x128xf32, #tpu.memory_space<hbm>> -> memref<632x128xf32, #tpu.memory_space<hbm>>
          %dma_start3A_44 = arith.constant 0 : i32
          %dma_start3A_45 = tpu.memref_slice %arg10[%multiple_of3A_32, %dma_start3A_44] : memref<10000x128xf32, #tpu.memory_space<vmem_shared>> -> memref<632x128xf32, #tpu.memory_space<vmem_shared>>
          tpu.enqueue_dma source(%dma_start3A_45 : memref<632x128xf32, #tpu.memory_space<vmem_shared>>) target(%dma_start3A_43 : memref<632x128xf32, #tpu.memory_space<hbm>>) target_semaphore(%run_scoped3A : memref<!tpu.dma_semaphore, #tpu.memory_space<semaphore_mem>>)
          %dma_wait3A = arith.constant 0 : i32
          %dma_wait3A_46 = tpu.memref_slice %arg5[%multiple_of3A_32, %dma_wait3A] : memref<10000x128xf32, #tpu.memory_space<hbm>> -> memref<632x128xf32, #tpu.memory_space<hbm>>
          %dma_wait3A_47 = arith.constant 0 : i32
          %dma_wait3A_48 = tpu.memref_slice %arg10[%multiple_of3A_32, %dma_wait3A_47] : memref<10000x128xf32, #tpu.memory_space<vmem_shared>> -> memref<632x128xf32, #tpu.memory_space<vmem_shared>>
          tpu.wait_dma2 semaphore(%run_scoped3A : memref<!tpu.dma_semaphore, #tpu.memory_space<semaphore_mem>>) src(%dma_wait3A_48 : memref<632x128xf32, #tpu.memory_space<vmem_shared>>) dst(%dma_wait3A_46 : memref<632x128xf32, #tpu.memory_space<hbm>>)
          tpu.yield
        }) : () -> ()
      } else {
      }
      %eq3A_38 = arith.constant 15 : i32
      %eq3A_39 = arith.cmpi eq, %arg1, %eq3A_38 : i32
      %convert_element_type3A_40 = arith.extui %eq3A_39 : i1 to i32
      %cond3A_41 = arith.constant 0 : i32
      %cond3A_42 = arith.cmpi ne, %convert_element_type3A_40, %cond3A_41 : i32
      scf.if %cond3A_42 {
        "tpu.region"() ({
          %run_scoped3A = tpu.sem_alloc : memref<!tpu.dma_semaphore, #tpu.memory_space<semaphore_mem>>
          %dma_start3A = arith.constant 9480 : i32
          %dma_start3A_43 = arith.constant 0 : i32
          %dma_start3A_44 = tpu.memref_slice %arg5[%dma_start3A, %dma_start3A_43] : memref<10000x128xf32, #tpu.memory_space<hbm>> -> memref<520x128xf32, #tpu.memory_space<hbm>>
          %dma_start3A_45 = arith.constant 9480 : i32
          %dma_start3A_46 = arith.constant 0 : i32
          %dma_start3A_47 = tpu.memref_slice %arg10[%dma_start3A_45, %dma_start3A_46] : memref<10000x128xf32, #tpu.memory_space<vmem_shared>> -> memref<520x128xf32, #tpu.memory_space<vmem_shared>>
          tpu.enqueue_dma source(%dma_start3A_47 : memref<520x128xf32, #tpu.memory_space<vmem_shared>>) target(%dma_start3A_44 : memref<520x128xf32, #tpu.memory_space<hbm>>) target_semaphore(%run_scoped3A : memref<!tpu.dma_semaphore, #tpu.memory_space<semaphore_mem>>)
          %dma_wait3A = arith.constant 9480 : i32
          %dma_wait3A_48 = arith.constant 0 : i32
          %dma_wait3A_49 = tpu.memref_slice %arg5[%dma_wait3A, %dma_wait3A_48] : memref<10000x128xf32, #tpu.memory_space<hbm>> -> memref<520x128xf32, #tpu.memory_space<hbm>>
          %dma_wait3A_50 = arith.constant 9480 : i32
          %dma_wait3A_51 = arith.constant 0 : i32
          %dma_wait3A_52 = tpu.memref_slice %arg10[%dma_wait3A_50, %dma_wait3A_51] : memref<10000x128xf32, #tpu.memory_space<vmem_shared>> -> memref<520x128xf32, #tpu.memory_space<vmem_shared>>
          tpu.wait_dma2 semaphore(%run_scoped3A : memref<!tpu.dma_semaphore, #tpu.memory_space<semaphore_mem>>) src(%dma_wait3A_52 : memref<520x128xf32, #tpu.memory_space<vmem_shared>>) dst(%dma_wait3A_49 : memref<520x128xf32, #tpu.memory_space<hbm>>)
          tpu.yield
        }) : () -> ()
      } else {
      }
    } else {
    }
    %eq3A_25 = arith.constant 1 : i32
    %eq3A_26 = arith.cmpi eq, %arg0, %eq3A_25 : i32
    %convert_element_type3A_27 = arith.extui %eq3A_26 : i1 to i32
    %cond3A_28 = arith.constant 0 : i32
    %cond3A_29 = arith.cmpi ne, %convert_element_type3A_27, %cond3A_28 : i32
    scf.if %cond3A_29 {
      %mul3A_30 = arith.constant 632 : i32
      %mul3A_31 = arith.muli %arg1, %mul3A_30 : i32
      %multiple_of3A_32 = tpu.assume_multiple %mul3A_31, 8 : i32
      %lt3A_33 = arith.constant 15 : i32
      %lt3A_34 = arith.cmpi slt, %arg1, %lt3A_33 : i32
      %convert_element_type3A_35 = arith.extui %lt3A_34 : i1 to i32
      %cond3A_36 = arith.constant 0 : i32
      %cond3A_37 = arith.cmpi ne, %convert_element_type3A_35, %cond3A_36 : i32
      scf.if %cond3A_37 {
        "tpu.region"() ({
          %run_scoped3A = tpu.sem_alloc : memref<!tpu.dma_semaphore, #tpu.memory_space<semaphore_mem>>
          %dma_start3A = arith.constant 0 : i32
          %dma_start3A_43 = tpu.memref_slice %arg6[%multiple_of3A_32, %dma_start3A] : memref<10000x128xf32, #tpu.memory_space<hbm>> -> memref<632x128xf32, #tpu.memory_space<hbm>>
          %dma_start3A_44 = arith.constant 0 : i32
          %dma_start3A_45 = tpu.memref_slice %arg10[%multiple_of3A_32, %dma_start3A_44] : memref<10000x128xf32, #tpu.memory_space<vmem_shared>> -> memref<632x128xf32, #tpu.memory_space<vmem_shared>>
          tpu.enqueue_dma source(%dma_start3A_45 : memref<632x128xf32, #tpu.memory_space<vmem_shared>>) target(%dma_start3A_43 : memref<632x128xf32, #tpu.memory_space<hbm>>) target_semaphore(%run_scoped3A : memref<!tpu.dma_semaphore, #tpu.memory_space<semaphore_mem>>)
          %dma_wait3A = arith.constant 0 : i32
          %dma_wait3A_46 = tpu.memref_slice %arg6[%multiple_of3A_32, %dma_wait3A] : memref<10000x128xf32, #tpu.memory_space<hbm>> -> memref<632x128xf32, #tpu.memory_space<hbm>>
          %dma_wait3A_47 = arith.constant 0 : i32
          %dma_wait3A_48 = tpu.memref_slice %arg10[%multiple_of3A_32, %dma_wait3A_47] : memref<10000x128xf32, #tpu.memory_space<vmem_shared>> -> memref<632x128xf32, #tpu.memory_space<vmem_shared>>
          tpu.wait_dma2 semaphore(%run_scoped3A : memref<!tpu.dma_semaphore, #tpu.memory_space<semaphore_mem>>) src(%dma_wait3A_48 : memref<632x128xf32, #tpu.memory_space<vmem_shared>>) dst(%dma_wait3A_46 : memref<632x128xf32, #tpu.memory_space<hbm>>)
          tpu.yield
        }) : () -> ()
      } else {
      }
      %eq3A_38 = arith.constant 15 : i32
      %eq3A_39 = arith.cmpi eq, %arg1, %eq3A_38 : i32
      %convert_element_type3A_40 = arith.extui %eq3A_39 : i1 to i32
      %cond3A_41 = arith.constant 0 : i32
      %cond3A_42 = arith.cmpi ne, %convert_element_type3A_40, %cond3A_41 : i32
      scf.if %cond3A_42 {
        "tpu.region"() ({
          %run_scoped3A = tpu.sem_alloc : memref<!tpu.dma_semaphore, #tpu.memory_space<semaphore_mem>>
          %dma_start3A = arith.constant 9480 : i32
          %dma_start3A_43 = arith.constant 0 : i32
          %dma_start3A_44 = tpu.memref_slice %arg6[%dma_start3A, %dma_start3A_43] : memref<10000x128xf32, #tpu.memory_space<hbm>> -> memref<520x128xf32, #tpu.memory_space<hbm>>
          %dma_start3A_45 = arith.constant 9480 : i32
          %dma_start3A_46 = arith.constant 0 : i32
          %dma_start3A_47 = tpu.memref_slice %arg10[%dma_start3A_45, %dma_start3A_46] : memref<10000x128xf32, #tpu.memory_space<vmem_shared>> -> memref<520x128xf32, #tpu.memory_space<vmem_shared>>
          tpu.enqueue_dma source(%dma_start3A_47 : memref<520x128xf32, #tpu.memory_space<vmem_shared>>) target(%dma_start3A_44 : memref<520x128xf32, #tpu.memory_space<hbm>>) target_semaphore(%run_scoped3A : memref<!tpu.dma_semaphore, #tpu.memory_space<semaphore_mem>>)
          %dma_wait3A = arith.constant 9480 : i32
          %dma_wait3A_48 = arith.constant 0 : i32
          %dma_wait3A_49 = tpu.memref_slice %arg6[%dma_wait3A, %dma_wait3A_48] : memref<10000x128xf32, #tpu.memory_space<hbm>> -> memref<520x128xf32, #tpu.memory_space<hbm>>
          %dma_wait3A_50 = arith.constant 9480 : i32
          %dma_wait3A_51 = arith.constant 0 : i32
          %dma_wait3A_52 = tpu.memref_slice %arg10[%dma_wait3A_50, %dma_wait3A_51] : memref<10000x128xf32, #tpu.memory_space<vmem_shared>> -> memref<520x128xf32, #tpu.memory_space<vmem_shared>>
          tpu.wait_dma2 semaphore(%run_scoped3A : memref<!tpu.dma_semaphore, #tpu.memory_space<semaphore_mem>>) src(%dma_wait3A_52 : memref<520x128xf32, #tpu.memory_space<vmem_shared>>) dst(%dma_wait3A_49 : memref<520x128xf32, #tpu.memory_space<hbm>>)
          tpu.yield
        }) : () -> ()
      } else {
      }
    } else {
    }
    return
  }
}

#map = affine_map<(d0, d1) -> (0, 0)>
#map1 = affine_map<(d0, d1) -> (0)>
module attributes {stable_mosaic.version = 14 : i64} {
  func.func @_agg_kernel(%arg0: i32, %arg1: i32, %arg2: memref<10000x128xf32, #tpu.memory_space<hbm>>, %arg3: memref<320000xi32, #tpu.memory_space<hbm>>, %arg4: memref<320000xi32, #tpu.memory_space<hbm>>, %arg5: memref<10000x128xf32, #tpu.memory_space<hbm>>, %arg6: memref<10000x128xf32, #tpu.memory_space<hbm>>, %arg7: memref<10000x128xf32, #tpu.memory_space<hbm>>, %arg8: memref<128xi32, #tpu.memory_space<vmem>>, %arg9: memref<128xi32, #tpu.memory_space<vmem>>, %arg10: memref<16xi32, #tpu.memory_space<vmem>>, %arg11: memref<16xi32, #tpu.memory_space<vmem>>, %arg12: memref<128x128xf32, #tpu.memory_space<vmem>>, %arg13: memref<16x128xf32, #tpu.memory_space<vmem>>, %arg14: memref<10000x128xf32, #tpu.memory_space<vmem_shared>>, %arg15: memref<!tpu.dma_semaphore, #tpu.memory_space<semaphore_mem>>) attributes {dimension_semantics = [#tpu.dimension_semantics<core_parallel>, #tpu.dimension_semantics<subcore_parallel>], iteration_bounds = array<i64: 2, 16>, scalar_prefetch = 0 : i64, scratch_operands = 8 : i64, tpu.core_type = #tpu.core_type<sc_vector_subcore>, window_params = [{transform_indices = #map}, {transform_indices = #map1}, {transform_indices = #map1}, {transform_indices = #map}, {transform_indices = #map}, {transform_indices = #map}]} {
    %mul3A = arith.constant 16 : i32
    %mul3A_0 = arith.muli %arg0, %mul3A : i32
    %add3A = arith.addi %mul3A_0, %arg1 : i32
    %eq3A = arith.constant 0 : i32
    %eq3A_1 = arith.cmpi eq, %arg0, %eq3A : i32
    %convert_element_type3A = arith.extui %eq3A_1 : i1 to i32
    %cond3A = arith.constant 0 : i32
    %cond3A_2 = arith.cmpi ne, %convert_element_type3A, %cond3A : i32
    scf.if %cond3A_2 {
      %mul3A_32 = arith.constant 632 : i32
      %mul3A_33 = arith.muli %arg1, %mul3A_32 : i32
      %multiple_of3A_34 = tpu.assume_multiple %mul3A_33, 8 : i32
      %lt3A = arith.constant 15 : i32
      %lt3A_35 = arith.cmpi slt, %arg1, %lt3A : i32
      %convert_element_type3A_36 = arith.extui %lt3A_35 : i1 to i32
      %cond3A_37 = arith.constant 0 : i32
      %cond3A_38 = arith.cmpi ne, %convert_element_type3A_36, %cond3A_37 : i32
      scf.if %cond3A_38 {
        "tpu.region"() ({
          %run_scoped3A = tpu.sem_alloc : memref<!tpu.dma_semaphore, #tpu.memory_space<semaphore_mem>>
          %dma_start3A_44 = arith.constant 0 : i32
          %dma_start3A_45 = tpu.memref_slice %arg14[%multiple_of3A_34, %dma_start3A_44] : memref<10000x128xf32, #tpu.memory_space<vmem_shared>> -> memref<632x128xf32, #tpu.memory_space<vmem_shared>>
          %dma_start3A_46 = arith.constant 0 : i32
          %dma_start3A_47 = tpu.memref_slice %arg2[%multiple_of3A_34, %dma_start3A_46] : memref<10000x128xf32, #tpu.memory_space<hbm>> -> memref<632x128xf32, #tpu.memory_space<hbm>>
          tpu.enqueue_dma source(%dma_start3A_47 : memref<632x128xf32, #tpu.memory_space<hbm>>) target(%dma_start3A_45 : memref<632x128xf32, #tpu.memory_space<vmem_shared>>) target_semaphore(%run_scoped3A : memref<!tpu.dma_semaphore, #tpu.memory_space<semaphore_mem>>)
          %dma_wait3A_48 = arith.constant 0 : i32
          %dma_wait3A_49 = tpu.memref_slice %arg14[%multiple_of3A_34, %dma_wait3A_48] : memref<10000x128xf32, #tpu.memory_space<vmem_shared>> -> memref<632x128xf32, #tpu.memory_space<vmem_shared>>
          %dma_wait3A_50 = arith.constant 0 : i32
          %dma_wait3A_51 = tpu.memref_slice %arg2[%multiple_of3A_34, %dma_wait3A_50] : memref<10000x128xf32, #tpu.memory_space<hbm>> -> memref<632x128xf32, #tpu.memory_space<hbm>>
          tpu.wait_dma2 semaphore(%run_scoped3A : memref<!tpu.dma_semaphore, #tpu.memory_space<semaphore_mem>>) src(%dma_wait3A_51 : memref<632x128xf32, #tpu.memory_space<hbm>>) dst(%dma_wait3A_49 : memref<632x128xf32, #tpu.memory_space<vmem_shared>>)
          tpu.yield
        }) : () -> ()
      } else {
      }
      %eq3A_39 = arith.constant 15 : i32
      %eq3A_40 = arith.cmpi eq, %arg1, %eq3A_39 : i32
      %convert_element_type3A_41 = arith.extui %eq3A_40 : i1 to i32
      %cond3A_42 = arith.constant 0 : i32
      %cond3A_43 = arith.cmpi ne, %convert_element_type3A_41, %cond3A_42 : i32
      scf.if %cond3A_43 {
        "tpu.region"() ({
          %run_scoped3A = tpu.sem_alloc : memref<!tpu.dma_semaphore, #tpu.memory_space<semaphore_mem>>
          %dma_start3A_44 = arith.constant 9480 : i32
          %dma_start3A_45 = arith.constant 0 : i32
          %dma_start3A_46 = tpu.memref_slice %arg14[%dma_start3A_44, %dma_start3A_45] : memref<10000x128xf32, #tpu.memory_space<vmem_shared>> -> memref<520x128xf32, #tpu.memory_space<vmem_shared>>
          %dma_start3A_47 = arith.constant 9480 : i32
          %dma_start3A_48 = arith.constant 0 : i32
          %dma_start3A_49 = tpu.memref_slice %arg2[%dma_start3A_47, %dma_start3A_48] : memref<10000x128xf32, #tpu.memory_space<hbm>> -> memref<520x128xf32, #tpu.memory_space<hbm>>
          tpu.enqueue_dma source(%dma_start3A_49 : memref<520x128xf32, #tpu.memory_space<hbm>>) target(%dma_start3A_46 : memref<520x128xf32, #tpu.memory_space<vmem_shared>>) target_semaphore(%run_scoped3A : memref<!tpu.dma_semaphore, #tpu.memory_space<semaphore_mem>>)
          %dma_wait3A_50 = arith.constant 9480 : i32
          %dma_wait3A_51 = arith.constant 0 : i32
          %dma_wait3A_52 = tpu.memref_slice %arg14[%dma_wait3A_50, %dma_wait3A_51] : memref<10000x128xf32, #tpu.memory_space<vmem_shared>> -> memref<520x128xf32, #tpu.memory_space<vmem_shared>>
          %dma_wait3A_53 = arith.constant 9480 : i32
          %dma_wait3A_54 = arith.constant 0 : i32
          %dma_wait3A_55 = tpu.memref_slice %arg2[%dma_wait3A_53, %dma_wait3A_54] : memref<10000x128xf32, #tpu.memory_space<hbm>> -> memref<520x128xf32, #tpu.memory_space<hbm>>
          tpu.wait_dma2 semaphore(%run_scoped3A : memref<!tpu.dma_semaphore, #tpu.memory_space<semaphore_mem>>) src(%dma_wait3A_55 : memref<520x128xf32, #tpu.memory_space<hbm>>) dst(%dma_wait3A_52 : memref<520x128xf32, #tpu.memory_space<vmem_shared>>)
          tpu.yield
        }) : () -> ()
      } else {
      }
    } else {
    }
    %eq3A_3 = arith.constant 1 : i32
    %eq3A_4 = arith.cmpi eq, %arg0, %eq3A_3 : i32
    %convert_element_type3A_5 = arith.extui %eq3A_4 : i1 to i32
    %cond3A_6 = arith.constant 0 : i32
    %cond3A_7 = arith.cmpi ne, %convert_element_type3A_5, %cond3A_6 : i32
    scf.if %cond3A_7 {
      %mul3A_32 = arith.constant 632 : i32
      %mul3A_33 = arith.muli %arg1, %mul3A_32 : i32
      %multiple_of3A_34 = tpu.assume_multiple %mul3A_33, 8 : i32
      %lt3A = arith.constant 15 : i32
      %lt3A_35 = arith.cmpi slt, %arg1, %lt3A : i32
      %convert_element_type3A_36 = arith.extui %lt3A_35 : i1 to i32
      %cond3A_37 = arith.constant 0 : i32
      %cond3A_38 = arith.cmpi ne, %convert_element_type3A_36, %cond3A_37 : i32
      scf.if %cond3A_38 {
        "tpu.region"() ({
          %run_scoped3A = tpu.sem_alloc : memref<!tpu.dma_semaphore, #tpu.memory_space<semaphore_mem>>
          %dma_start3A_44 = arith.constant 0 : i32
          %dma_start3A_45 = tpu.memref_slice %arg14[%multiple_of3A_34, %dma_start3A_44] : memref<10000x128xf32, #tpu.memory_space<vmem_shared>> -> memref<632x128xf32, #tpu.memory_space<vmem_shared>>
          %dma_start3A_46 = arith.constant 0 : i32
          %dma_start3A_47 = tpu.memref_slice %arg5[%multiple_of3A_34, %dma_start3A_46] : memref<10000x128xf32, #tpu.memory_space<hbm>> -> memref<632x128xf32, #tpu.memory_space<hbm>>
          tpu.enqueue_dma source(%dma_start3A_47 : memref<632x128xf32, #tpu.memory_space<hbm>>) target(%dma_start3A_45 : memref<632x128xf32, #tpu.memory_space<vmem_shared>>) target_semaphore(%run_scoped3A : memref<!tpu.dma_semaphore, #tpu.memory_space<semaphore_mem>>)
          %dma_wait3A_48 = arith.constant 0 : i32
          %dma_wait3A_49 = tpu.memref_slice %arg14[%multiple_of3A_34, %dma_wait3A_48] : memref<10000x128xf32, #tpu.memory_space<vmem_shared>> -> memref<632x128xf32, #tpu.memory_space<vmem_shared>>
          %dma_wait3A_50 = arith.constant 0 : i32
          %dma_wait3A_51 = tpu.memref_slice %arg5[%multiple_of3A_34, %dma_wait3A_50] : memref<10000x128xf32, #tpu.memory_space<hbm>> -> memref<632x128xf32, #tpu.memory_space<hbm>>
          tpu.wait_dma2 semaphore(%run_scoped3A : memref<!tpu.dma_semaphore, #tpu.memory_space<semaphore_mem>>) src(%dma_wait3A_51 : memref<632x128xf32, #tpu.memory_space<hbm>>) dst(%dma_wait3A_49 : memref<632x128xf32, #tpu.memory_space<vmem_shared>>)
          tpu.yield
        }) : () -> ()
      } else {
      }
      %eq3A_39 = arith.constant 15 : i32
      %eq3A_40 = arith.cmpi eq, %arg1, %eq3A_39 : i32
      %convert_element_type3A_41 = arith.extui %eq3A_40 : i1 to i32
      %cond3A_42 = arith.constant 0 : i32
      %cond3A_43 = arith.cmpi ne, %convert_element_type3A_41, %cond3A_42 : i32
      scf.if %cond3A_43 {
        "tpu.region"() ({
          %run_scoped3A = tpu.sem_alloc : memref<!tpu.dma_semaphore, #tpu.memory_space<semaphore_mem>>
          %dma_start3A_44 = arith.constant 9480 : i32
          %dma_start3A_45 = arith.constant 0 : i32
          %dma_start3A_46 = tpu.memref_slice %arg14[%dma_start3A_44, %dma_start3A_45] : memref<10000x128xf32, #tpu.memory_space<vmem_shared>> -> memref<520x128xf32, #tpu.memory_space<vmem_shared>>
          %dma_start3A_47 = arith.constant 9480 : i32
          %dma_start3A_48 = arith.constant 0 : i32
          %dma_start3A_49 = tpu.memref_slice %arg5[%dma_start3A_47, %dma_start3A_48] : memref<10000x128xf32, #tpu.memory_space<hbm>> -> memref<520x128xf32, #tpu.memory_space<hbm>>
          tpu.enqueue_dma source(%dma_start3A_49 : memref<520x128xf32, #tpu.memory_space<hbm>>) target(%dma_start3A_46 : memref<520x128xf32, #tpu.memory_space<vmem_shared>>) target_semaphore(%run_scoped3A : memref<!tpu.dma_semaphore, #tpu.memory_space<semaphore_mem>>)
          %dma_wait3A_50 = arith.constant 9480 : i32
          %dma_wait3A_51 = arith.constant 0 : i32
          %dma_wait3A_52 = tpu.memref_slice %arg14[%dma_wait3A_50, %dma_wait3A_51] : memref<10000x128xf32, #tpu.memory_space<vmem_shared>> -> memref<520x128xf32, #tpu.memory_space<vmem_shared>>
          %dma_wait3A_53 = arith.constant 9480 : i32
          %dma_wait3A_54 = arith.constant 0 : i32
          %dma_wait3A_55 = tpu.memref_slice %arg5[%dma_wait3A_53, %dma_wait3A_54] : memref<10000x128xf32, #tpu.memory_space<hbm>> -> memref<520x128xf32, #tpu.memory_space<hbm>>
          tpu.wait_dma2 semaphore(%run_scoped3A : memref<!tpu.dma_semaphore, #tpu.memory_space<semaphore_mem>>) src(%dma_wait3A_55 : memref<520x128xf32, #tpu.memory_space<hbm>>) dst(%dma_wait3A_52 : memref<520x128xf32, #tpu.memory_space<vmem_shared>>)
          tpu.yield
        }) : () -> ()
      } else {
      }
    } else {
    }
    %barrier3A = arith.constant 0 : index
    tpu.barrier barrier_id(%barrier3A)
    %mul3A_8 = arith.constant 10000 : i32
    %mul3A_9 = arith.muli %add3A, %mul3A_8 : i32
    %scan3A = arith.constant 0 : i32
    %scan3A_10 = arith.constant 0 : i32
    %scan3A_11 = arith.constant 78 : i32
    %scan3A_12 = arith.addi %scan3A_10, %scan3A_11 : i32
    %scan3A_13 = arith.constant 1 : i32
    scf.for %scan3A_32 = %scan3A_10 to %scan3A_12 step %scan3A_13  : i32 {
      %mul3A_33 = arith.constant 128 : i32
      %mul3A_34 = arith.muli %scan3A_32, %mul3A_33 : i32
      %add3A_35 = arith.addi %mul3A_9, %mul3A_34 : i32
      %multiple_of3A_36 = tpu.assume_multiple %add3A_35, 8 : i32
      "tpu.region"() ({
        %run_scoped3A = tpu.sem_alloc : memref<!tpu.dma_semaphore, #tpu.memory_space<semaphore_mem>>
        %dma_start3A_43 = tpu.memref_slice %arg3[%multiple_of3A_36] : memref<320000xi32, #tpu.memory_space<hbm>> -> memref<128xi32, #tpu.memory_space<hbm>>
        %dma_start3A_44 = tpu.memref_slice %arg3[%multiple_of3A_36] : memref<320000xi32, #tpu.memory_space<hbm>> -> memref<128xi32, #tpu.memory_space<hbm>>
        tpu.enqueue_dma source(%dma_start3A_44 : memref<128xi32, #tpu.memory_space<hbm>>) target(%arg8 : memref<128xi32, #tpu.memory_space<vmem>>) target_semaphore(%run_scoped3A : memref<!tpu.dma_semaphore, #tpu.memory_space<semaphore_mem>>)
        %dma_wait3A_45 = tpu.memref_slice %arg3[%multiple_of3A_36] : memref<320000xi32, #tpu.memory_space<hbm>> -> memref<128xi32, #tpu.memory_space<hbm>>
        %dma_wait3A_46 = tpu.memref_slice %arg3[%multiple_of3A_36] : memref<320000xi32, #tpu.memory_space<hbm>> -> memref<128xi32, #tpu.memory_space<hbm>>
        tpu.wait_dma2 semaphore(%run_scoped3A : memref<!tpu.dma_semaphore, #tpu.memory_space<semaphore_mem>>) src(%dma_wait3A_46 : memref<128xi32, #tpu.memory_space<hbm>>) dst(%arg8 : memref<128xi32, #tpu.memory_space<vmem>>)
        tpu.yield
      }) : () -> ()
      "tpu.region"() ({
        %run_scoped3A = tpu.sem_alloc : memref<!tpu.dma_semaphore, #tpu.memory_space<semaphore_mem>>
        %dma_start3A_43 = tpu.memref_slice %arg4[%multiple_of3A_36] : memref<320000xi32, #tpu.memory_space<hbm>> -> memref<128xi32, #tpu.memory_space<hbm>>
        %dma_start3A_44 = tpu.memref_slice %arg4[%multiple_of3A_36] : memref<320000xi32, #tpu.memory_space<hbm>> -> memref<128xi32, #tpu.memory_space<hbm>>
        tpu.enqueue_dma source(%dma_start3A_44 : memref<128xi32, #tpu.memory_space<hbm>>) target(%arg9 : memref<128xi32, #tpu.memory_space<vmem>>) target_semaphore(%run_scoped3A : memref<!tpu.dma_semaphore, #tpu.memory_space<semaphore_mem>>)
        %dma_wait3A_45 = tpu.memref_slice %arg4[%multiple_of3A_36] : memref<320000xi32, #tpu.memory_space<hbm>> -> memref<128xi32, #tpu.memory_space<hbm>>
        %dma_wait3A_46 = tpu.memref_slice %arg4[%multiple_of3A_36] : memref<320000xi32, #tpu.memory_space<hbm>> -> memref<128xi32, #tpu.memory_space<hbm>>
        tpu.wait_dma2 semaphore(%run_scoped3A : memref<!tpu.dma_semaphore, #tpu.memory_space<semaphore_mem>>) src(%dma_wait3A_46 : memref<128xi32, #tpu.memory_space<hbm>>) dst(%arg9 : memref<128xi32, #tpu.memory_space<vmem>>)
        tpu.yield
      }) : () -> ()
      %dma_start3A_37 = arith.constant 0 : i32
      %dma_start3A_38 = arith.constant 0 : i32
      %dma_start3A_39 = tpu.memref_slice %arg2[%dma_start3A_37, %dma_start3A_38] : memref<10000x128xf32, #tpu.memory_space<hbm>> -> memref<10000x128xf32, #tpu.memory_space<hbm>>
      tpu.enqueue_indirect_dma source(%dma_start3A_39 : memref<10000x128xf32, #tpu.memory_space<hbm>>) target(%arg12 : memref<128x128xf32, #tpu.memory_space<vmem>>) offsets(%arg8 : memref<128xi32, #tpu.memory_space<vmem>>) semaphore(%arg15 : memref<!tpu.dma_semaphore, #tpu.memory_space<semaphore_mem>>)
      %dma_wait3A_40 = arith.constant 0 : i32
      %dma_wait3A_41 = arith.constant 0 : i32
      %dma_wait3A_42 = tpu.memref_slice %arg2[%dma_wait3A_40, %dma_wait3A_41] : memref<10000x128xf32, #tpu.memory_space<hbm>> -> memref<10000x128xf32, #tpu.memory_space<hbm>>
      tpu.wait_indirect_dma semaphore(%arg15 : memref<!tpu.dma_semaphore, #tpu.memory_space<semaphore_mem>>) src(%dma_wait3A_42 : memref<10000x128xf32, #tpu.memory_space<hbm>>) dst(%arg12 : memref<128x128xf32, #tpu.memory_space<vmem>>)
      "tpu.region"() ({
        %run_scoped3A = tpu.sem_alloc : memref<!tpu.dma_semaphore, #tpu.memory_space<semaphore_mem>>
        %dma_start3A_43 = arith.constant 0 : i32
        %dma_start3A_44 = arith.constant 0 : i32
        %dma_start3A_45 = tpu.memref_slice %arg14[%dma_start3A_43, %dma_start3A_44] : memref<10000x128xf32, #tpu.memory_space<vmem_shared>> -> memref<10000x128xf32, #tpu.memory_space<vmem_shared>>
        tpu.enqueue_indirect_dma source(%arg12 : memref<128x128xf32, #tpu.memory_space<vmem>>) target(%dma_start3A_45 : memref<10000x128xf32, #tpu.memory_space<vmem_shared>>) offsets(%arg9 : memref<128xi32, #tpu.memory_space<vmem>>) semaphore(%run_scoped3A : memref<!tpu.dma_semaphore, #tpu.memory_space<semaphore_mem>>) {add = true}
        %dma_wait3A_46 = arith.constant 0 : i32
        %dma_wait3A_47 = arith.constant 0 : i32
        %dma_wait3A_48 = tpu.memref_slice %arg14[%dma_wait3A_46, %dma_wait3A_47] : memref<10000x128xf32, #tpu.memory_space<vmem_shared>> -> memref<10000x128xf32, #tpu.memory_space<vmem_shared>>
        tpu.wait_indirect_dma semaphore(%run_scoped3A : memref<!tpu.dma_semaphore, #tpu.memory_space<semaphore_mem>>) src(%arg12 : memref<128x128xf32, #tpu.memory_space<vmem>>) dst(%dma_wait3A_48 : memref<10000x128xf32, #tpu.memory_space<vmem_shared>>)
        tpu.yield
      }) : () -> ()
    }
    %scan3A_14 = arith.constant 78 : i32
    %add3A_15 = arith.constant 9984 : i32
    %add3A_16 = arith.addi %mul3A_9, %add3A_15 : i32
    %multiple_of3A = tpu.assume_multiple %add3A_16, 8 : i32
    "tpu.region"() ({
      %run_scoped3A = tpu.sem_alloc : memref<!tpu.dma_semaphore, #tpu.memory_space<semaphore_mem>>
      %dma_start3A_32 = tpu.memref_slice %arg3[%multiple_of3A] : memref<320000xi32, #tpu.memory_space<hbm>> -> memref<16xi32, #tpu.memory_space<hbm>>
      %dma_start3A_33 = tpu.memref_slice %arg3[%multiple_of3A] : memref<320000xi32, #tpu.memory_space<hbm>> -> memref<16xi32, #tpu.memory_space<hbm>>
      tpu.enqueue_dma source(%dma_start3A_33 : memref<16xi32, #tpu.memory_space<hbm>>) target(%arg10 : memref<16xi32, #tpu.memory_space<vmem>>) target_semaphore(%run_scoped3A : memref<!tpu.dma_semaphore, #tpu.memory_space<semaphore_mem>>)
      %dma_wait3A_34 = tpu.memref_slice %arg3[%multiple_of3A] : memref<320000xi32, #tpu.memory_space<hbm>> -> memref<16xi32, #tpu.memory_space<hbm>>
      %dma_wait3A_35 = tpu.memref_slice %arg3[%multiple_of3A] : memref<320000xi32, #tpu.memory_space<hbm>> -> memref<16xi32, #tpu.memory_space<hbm>>
      tpu.wait_dma2 semaphore(%run_scoped3A : memref<!tpu.dma_semaphore, #tpu.memory_space<semaphore_mem>>) src(%dma_wait3A_35 : memref<16xi32, #tpu.memory_space<hbm>>) dst(%arg10 : memref<16xi32, #tpu.memory_space<vmem>>)
      tpu.yield
    }) : () -> ()
    "tpu.region"() ({
      %run_scoped3A = tpu.sem_alloc : memref<!tpu.dma_semaphore, #tpu.memory_space<semaphore_mem>>
      %dma_start3A_32 = tpu.memref_slice %arg4[%multiple_of3A] : memref<320000xi32, #tpu.memory_space<hbm>> -> memref<16xi32, #tpu.memory_space<hbm>>
      %dma_start3A_33 = tpu.memref_slice %arg4[%multiple_of3A] : memref<320000xi32, #tpu.memory_space<hbm>> -> memref<16xi32, #tpu.memory_space<hbm>>
      tpu.enqueue_dma source(%dma_start3A_33 : memref<16xi32, #tpu.memory_space<hbm>>) target(%arg11 : memref<16xi32, #tpu.memory_space<vmem>>) target_semaphore(%run_scoped3A : memref<!tpu.dma_semaphore, #tpu.memory_space<semaphore_mem>>)
      %dma_wait3A_34 = tpu.memref_slice %arg4[%multiple_of3A] : memref<320000xi32, #tpu.memory_space<hbm>> -> memref<16xi32, #tpu.memory_space<hbm>>
      %dma_wait3A_35 = tpu.memref_slice %arg4[%multiple_of3A] : memref<320000xi32, #tpu.memory_space<hbm>> -> memref<16xi32, #tpu.memory_space<hbm>>
      tpu.wait_dma2 semaphore(%run_scoped3A : memref<!tpu.dma_semaphore, #tpu.memory_space<semaphore_mem>>) src(%dma_wait3A_35 : memref<16xi32, #tpu.memory_space<hbm>>) dst(%arg11 : memref<16xi32, #tpu.memory_space<vmem>>)
      tpu.yield
    }) : () -> ()
    %dma_start3A = arith.constant 0 : i32
    %dma_start3A_17 = arith.constant 0 : i32
    %dma_start3A_18 = tpu.memref_slice %arg2[%dma_start3A, %dma_start3A_17] : memref<10000x128xf32, #tpu.memory_space<hbm>> -> memref<10000x128xf32, #tpu.memory_space<hbm>>
    tpu.enqueue_indirect_dma source(%dma_start3A_18 : memref<10000x128xf32, #tpu.memory_space<hbm>>) target(%arg13 : memref<16x128xf32, #tpu.memory_space<vmem>>) offsets(%arg10 : memref<16xi32, #tpu.memory_space<vmem>>) semaphore(%arg15 : memref<!tpu.dma_semaphore, #tpu.memory_space<semaphore_mem>>)
    %dma_wait3A = arith.constant 0 : i32
    %dma_wait3A_19 = arith.constant 0 : i32
    %dma_wait3A_20 = tpu.memref_slice %arg2[%dma_wait3A, %dma_wait3A_19] : memref<10000x128xf32, #tpu.memory_space<hbm>> -> memref<10000x128xf32, #tpu.memory_space<hbm>>
    tpu.wait_indirect_dma semaphore(%arg15 : memref<!tpu.dma_semaphore, #tpu.memory_space<semaphore_mem>>) src(%dma_wait3A_20 : memref<10000x128xf32, #tpu.memory_space<hbm>>) dst(%arg13 : memref<16x128xf32, #tpu.memory_space<vmem>>)
    "tpu.region"() ({
      %run_scoped3A = tpu.sem_alloc : memref<!tpu.dma_semaphore, #tpu.memory_space<semaphore_mem>>
      %dma_start3A_32 = arith.constant 0 : i32
      %dma_start3A_33 = arith.constant 0 : i32
      %dma_start3A_34 = tpu.memref_slice %arg14[%dma_start3A_32, %dma_start3A_33] : memref<10000x128xf32, #tpu.memory_space<vmem_shared>> -> memref<10000x128xf32, #tpu.memory_space<vmem_shared>>
      tpu.enqueue_indirect_dma source(%arg13 : memref<16x128xf32, #tpu.memory_space<vmem>>) target(%dma_start3A_34 : memref<10000x128xf32, #tpu.memory_space<vmem_shared>>) offsets(%arg11 : memref<16xi32, #tpu.memory_space<vmem>>) semaphore(%run_scoped3A : memref<!tpu.dma_semaphore, #tpu.memory_space<semaphore_mem>>) {add = true}
      %dma_wait3A_35 = arith.constant 0 : i32
      %dma_wait3A_36 = arith.constant 0 : i32
      %dma_wait3A_37 = tpu.memref_slice %arg14[%dma_wait3A_35, %dma_wait3A_36] : memref<10000x128xf32, #tpu.memory_space<vmem_shared>> -> memref<10000x128xf32, #tpu.memory_space<vmem_shared>>
      tpu.wait_indirect_dma semaphore(%run_scoped3A : memref<!tpu.dma_semaphore, #tpu.memory_space<semaphore_mem>>) src(%arg13 : memref<16x128xf32, #tpu.memory_space<vmem>>) dst(%dma_wait3A_37 : memref<10000x128xf32, #tpu.memory_space<vmem_shared>>)
      tpu.yield
    }) : () -> ()
    %barrier3A_21 = arith.constant 0 : index
    tpu.barrier barrier_id(%barrier3A_21)
    %eq3A_22 = arith.constant 0 : i32
    %eq3A_23 = arith.cmpi eq, %arg0, %eq3A_22 : i32
    %convert_element_type3A_24 = arith.extui %eq3A_23 : i1 to i32
    %cond3A_25 = arith.constant 0 : i32
    %cond3A_26 = arith.cmpi ne, %convert_element_type3A_24, %cond3A_25 : i32
    scf.if %cond3A_26 {
      %mul3A_32 = arith.constant 632 : i32
      %mul3A_33 = arith.muli %arg1, %mul3A_32 : i32
      %multiple_of3A_34 = tpu.assume_multiple %mul3A_33, 8 : i32
      %lt3A = arith.constant 15 : i32
      %lt3A_35 = arith.cmpi slt, %arg1, %lt3A : i32
      %convert_element_type3A_36 = arith.extui %lt3A_35 : i1 to i32
      %cond3A_37 = arith.constant 0 : i32
      %cond3A_38 = arith.cmpi ne, %convert_element_type3A_36, %cond3A_37 : i32
      scf.if %cond3A_38 {
        "tpu.region"() ({
          %run_scoped3A = tpu.sem_alloc : memref<!tpu.dma_semaphore, #tpu.memory_space<semaphore_mem>>
          %dma_start3A_44 = arith.constant 0 : i32
          %dma_start3A_45 = tpu.memref_slice %arg6[%multiple_of3A_34, %dma_start3A_44] : memref<10000x128xf32, #tpu.memory_space<hbm>> -> memref<632x128xf32, #tpu.memory_space<hbm>>
          %dma_start3A_46 = arith.constant 0 : i32
          %dma_start3A_47 = tpu.memref_slice %arg14[%multiple_of3A_34, %dma_start3A_46] : memref<10000x128xf32, #tpu.memory_space<vmem_shared>> -> memref<632x128xf32, #tpu.memory_space<vmem_shared>>
          tpu.enqueue_dma source(%dma_start3A_47 : memref<632x128xf32, #tpu.memory_space<vmem_shared>>) target(%dma_start3A_45 : memref<632x128xf32, #tpu.memory_space<hbm>>) target_semaphore(%run_scoped3A : memref<!tpu.dma_semaphore, #tpu.memory_space<semaphore_mem>>)
          %dma_wait3A_48 = arith.constant 0 : i32
          %dma_wait3A_49 = tpu.memref_slice %arg6[%multiple_of3A_34, %dma_wait3A_48] : memref<10000x128xf32, #tpu.memory_space<hbm>> -> memref<632x128xf32, #tpu.memory_space<hbm>>
          %dma_wait3A_50 = arith.constant 0 : i32
          %dma_wait3A_51 = tpu.memref_slice %arg14[%multiple_of3A_34, %dma_wait3A_50] : memref<10000x128xf32, #tpu.memory_space<vmem_shared>> -> memref<632x128xf32, #tpu.memory_space<vmem_shared>>
          tpu.wait_dma2 semaphore(%run_scoped3A : memref<!tpu.dma_semaphore, #tpu.memory_space<semaphore_mem>>) src(%dma_wait3A_51 : memref<632x128xf32, #tpu.memory_space<vmem_shared>>) dst(%dma_wait3A_49 : memref<632x128xf32, #tpu.memory_space<hbm>>)
          tpu.yield
        }) : () -> ()
      } else {
      }
      %eq3A_39 = arith.constant 15 : i32
      %eq3A_40 = arith.cmpi eq, %arg1, %eq3A_39 : i32
      %convert_element_type3A_41 = arith.extui %eq3A_40 : i1 to i32
      %cond3A_42 = arith.constant 0 : i32
      %cond3A_43 = arith.cmpi ne, %convert_element_type3A_41, %cond3A_42 : i32
      scf.if %cond3A_43 {
        "tpu.region"() ({
          %run_scoped3A = tpu.sem_alloc : memref<!tpu.dma_semaphore, #tpu.memory_space<semaphore_mem>>
          %dma_start3A_44 = arith.constant 9480 : i32
          %dma_start3A_45 = arith.constant 0 : i32
          %dma_start3A_46 = tpu.memref_slice %arg6[%dma_start3A_44, %dma_start3A_45] : memref<10000x128xf32, #tpu.memory_space<hbm>> -> memref<520x128xf32, #tpu.memory_space<hbm>>
          %dma_start3A_47 = arith.constant 9480 : i32
          %dma_start3A_48 = arith.constant 0 : i32
          %dma_start3A_49 = tpu.memref_slice %arg14[%dma_start3A_47, %dma_start3A_48] : memref<10000x128xf32, #tpu.memory_space<vmem_shared>> -> memref<520x128xf32, #tpu.memory_space<vmem_shared>>
          tpu.enqueue_dma source(%dma_start3A_49 : memref<520x128xf32, #tpu.memory_space<vmem_shared>>) target(%dma_start3A_46 : memref<520x128xf32, #tpu.memory_space<hbm>>) target_semaphore(%run_scoped3A : memref<!tpu.dma_semaphore, #tpu.memory_space<semaphore_mem>>)
          %dma_wait3A_50 = arith.constant 9480 : i32
          %dma_wait3A_51 = arith.constant 0 : i32
          %dma_wait3A_52 = tpu.memref_slice %arg6[%dma_wait3A_50, %dma_wait3A_51] : memref<10000x128xf32, #tpu.memory_space<hbm>> -> memref<520x128xf32, #tpu.memory_space<hbm>>
          %dma_wait3A_53 = arith.constant 9480 : i32
          %dma_wait3A_54 = arith.constant 0 : i32
          %dma_wait3A_55 = tpu.memref_slice %arg14[%dma_wait3A_53, %dma_wait3A_54] : memref<10000x128xf32, #tpu.memory_space<vmem_shared>> -> memref<520x128xf32, #tpu.memory_space<vmem_shared>>
          tpu.wait_dma2 semaphore(%run_scoped3A : memref<!tpu.dma_semaphore, #tpu.memory_space<semaphore_mem>>) src(%dma_wait3A_55 : memref<520x128xf32, #tpu.memory_space<vmem_shared>>) dst(%dma_wait3A_52 : memref<520x128xf32, #tpu.memory_space<hbm>>)
          tpu.yield
        }) : () -> ()
      } else {
      }
    } else {
    }
    %eq3A_27 = arith.constant 1 : i32
    %eq3A_28 = arith.cmpi eq, %arg0, %eq3A_27 : i32
    %convert_element_type3A_29 = arith.extui %eq3A_28 : i1 to i32
    %cond3A_30 = arith.constant 0 : i32
    %cond3A_31 = arith.cmpi ne, %convert_element_type3A_29, %cond3A_30 : i32
    scf.if %cond3A_31 {
      %mul3A_32 = arith.constant 632 : i32
      %mul3A_33 = arith.muli %arg1, %mul3A_32 : i32
      %multiple_of3A_34 = tpu.assume_multiple %mul3A_33, 8 : i32
      %lt3A = arith.constant 15 : i32
      %lt3A_35 = arith.cmpi slt, %arg1, %lt3A : i32
      %convert_element_type3A_36 = arith.extui %lt3A_35 : i1 to i32
      %cond3A_37 = arith.constant 0 : i32
      %cond3A_38 = arith.cmpi ne, %convert_element_type3A_36, %cond3A_37 : i32
      scf.if %cond3A_38 {
        "tpu.region"() ({
          %run_scoped3A = tpu.sem_alloc : memref<!tpu.dma_semaphore, #tpu.memory_space<semaphore_mem>>
          %dma_start3A_44 = arith.constant 0 : i32
          %dma_start3A_45 = tpu.memref_slice %arg7[%multiple_of3A_34, %dma_start3A_44] : memref<10000x128xf32, #tpu.memory_space<hbm>> -> memref<632x128xf32, #tpu.memory_space<hbm>>
          %dma_start3A_46 = arith.constant 0 : i32
          %dma_start3A_47 = tpu.memref_slice %arg14[%multiple_of3A_34, %dma_start3A_46] : memref<10000x128xf32, #tpu.memory_space<vmem_shared>> -> memref<632x128xf32, #tpu.memory_space<vmem_shared>>
          tpu.enqueue_dma source(%dma_start3A_47 : memref<632x128xf32, #tpu.memory_space<vmem_shared>>) target(%dma_start3A_45 : memref<632x128xf32, #tpu.memory_space<hbm>>) target_semaphore(%run_scoped3A : memref<!tpu.dma_semaphore, #tpu.memory_space<semaphore_mem>>)
          %dma_wait3A_48 = arith.constant 0 : i32
          %dma_wait3A_49 = tpu.memref_slice %arg7[%multiple_of3A_34, %dma_wait3A_48] : memref<10000x128xf32, #tpu.memory_space<hbm>> -> memref<632x128xf32, #tpu.memory_space<hbm>>
          %dma_wait3A_50 = arith.constant 0 : i32
          %dma_wait3A_51 = tpu.memref_slice %arg14[%multiple_of3A_34, %dma_wait3A_50] : memref<10000x128xf32, #tpu.memory_space<vmem_shared>> -> memref<632x128xf32, #tpu.memory_space<vmem_shared>>
          tpu.wait_dma2 semaphore(%run_scoped3A : memref<!tpu.dma_semaphore, #tpu.memory_space<semaphore_mem>>) src(%dma_wait3A_51 : memref<632x128xf32, #tpu.memory_space<vmem_shared>>) dst(%dma_wait3A_49 : memref<632x128xf32, #tpu.memory_space<hbm>>)
          tpu.yield
        }) : () -> ()
      } else {
      }
      %eq3A_39 = arith.constant 15 : i32
      %eq3A_40 = arith.cmpi eq, %arg1, %eq3A_39 : i32
      %convert_element_type3A_41 = arith.extui %eq3A_40 : i1 to i32
      %cond3A_42 = arith.constant 0 : i32
      %cond3A_43 = arith.cmpi ne, %convert_element_type3A_41, %cond3A_42 : i32
      scf.if %cond3A_43 {
        "tpu.region"() ({
          %run_scoped3A = tpu.sem_alloc : memref<!tpu.dma_semaphore, #tpu.memory_space<semaphore_mem>>
          %dma_start3A_44 = arith.constant 9480 : i32
          %dma_start3A_45 = arith.constant 0 : i32
          %dma_start3A_46 = tpu.memref_slice %arg7[%dma_start3A_44, %dma_start3A_45] : memref<10000x128xf32, #tpu.memory_space<hbm>> -> memref<520x128xf32, #tpu.memory_space<hbm>>
          %dma_start3A_47 = arith.constant 9480 : i32
          %dma_start3A_48 = arith.constant 0 : i32
          %dma_start3A_49 = tpu.memref_slice %arg14[%dma_start3A_47, %dma_start3A_48] : memref<10000x128xf32, #tpu.memory_space<vmem_shared>> -> memref<520x128xf32, #tpu.memory_space<vmem_shared>>
          tpu.enqueue_dma source(%dma_start3A_49 : memref<520x128xf32, #tpu.memory_space<vmem_shared>>) target(%dma_start3A_46 : memref<520x128xf32, #tpu.memory_space<hbm>>) target_semaphore(%run_scoped3A : memref<!tpu.dma_semaphore, #tpu.memory_space<semaphore_mem>>)
          %dma_wait3A_50 = arith.constant 9480 : i32
          %dma_wait3A_51 = arith.constant 0 : i32
          %dma_wait3A_52 = tpu.memref_slice %arg7[%dma_wait3A_50, %dma_wait3A_51] : memref<10000x128xf32, #tpu.memory_space<hbm>> -> memref<520x128xf32, #tpu.memory_space<hbm>>
          %dma_wait3A_53 = arith.constant 9480 : i32
          %dma_wait3A_54 = arith.constant 0 : i32
          %dma_wait3A_55 = tpu.memref_slice %arg14[%dma_wait3A_53, %dma_wait3A_54] : memref<10000x128xf32, #tpu.memory_space<vmem_shared>> -> memref<520x128xf32, #tpu.memory_space<vmem_shared>>
          tpu.wait_dma2 semaphore(%run_scoped3A : memref<!tpu.dma_semaphore, #tpu.memory_space<semaphore_mem>>) src(%dma_wait3A_55 : memref<520x128xf32, #tpu.memory_space<vmem_shared>>) dst(%dma_wait3A_52 : memref<520x128xf32, #tpu.memory_space<hbm>>)
          tpu.yield
        }) : () -> ()
      } else {
      }
    } else {
    }
    return
  }
}

module attributes {stable_mosaic.version = 14 : i64} {
  func.func @_finish_mm_body(%arg0: i32, %arg1: memref<1000x128xf32, #tpu.memory_space<vmem>>, %arg2: memref<1000x128xf32, #tpu.memory_space<vmem>>, %arg3: memref<1000x16xf32, #tpu.memory_space<vmem>>, %arg4: memref<1x128xf32, #tpu.memory_space<vmem>>, %arg5: memref<128x128xf32, #tpu.memory_space<vmem>>, %arg6: memref<1000x128xf32, #tpu.memory_space<vmem>>) attributes {dimension_semantics = [#tpu.dimension_semantics<arbitrary>], iteration_bounds = array<i64: 10>, scalar_prefetch = 0 : i64, scratch_operands = 0 : i64, tpu.core_type = #tpu.core_type<tc>, window_params = [{transform_indices = @transform_0, window_bounds = array<i64: 1000, 128>}, {transform_indices = @transform_1, window_bounds = array<i64: 1000, 128>}, {transform_indices = @transform_2, window_bounds = array<i64: 1000, 16>}, {pipeline_mode = #tpu.pipeline_mode<synchronous>, transform_indices = @transform_3, window_bounds = array<i64: 1, 128>}, {pipeline_mode = #tpu.pipeline_mode<synchronous>, transform_indices = @transform_4, window_bounds = array<i64: 128, 128>}, {transform_indices = @transform_5, window_bounds = array<i64: 1000, 128>}]} {
    %get3A = arith.constant 0 : index
    %get3A_0 = arith.constant 0 : index
    %get3A_1 = vector.load %arg3[%get3A, %get3A_0] : memref<1000x16xf32, #tpu.memory_space<vmem>>, vector<1000x1xf32>
    %get3A_2 = arith.constant 0 : index
    %get3A_3 = arith.constant 0 : index
    %get3A_4 = vector.load %arg1[%get3A_2, %get3A_3] : memref<1000x128xf32, #tpu.memory_space<vmem>>, vector<1000x128xf32>
    %get3A_5 = arith.constant 0 : index
    %get3A_6 = arith.constant 0 : index
    %get3A_7 = vector.load %arg2[%get3A_5, %get3A_6] : memref<1000x128xf32, #tpu.memory_space<vmem>>, vector<1000x128xf32>
    %add3A = arith.addf %get3A_4, %get3A_7 : vector<1000x128xf32>
    %mul3A = vector.broadcast %get3A_1 : vector<1000x1xf32> to vector<1000x128xf32>
    %mul3A_8 = arith.mulf %add3A, %mul3A : vector<1000x128xf32>
    %get3A_9 = arith.constant 0 : index
    %get3A_10 = arith.constant 0 : index
    %get3A_11 = vector.load %arg4[%get3A_9, %get3A_10] : memref<1x128xf32, #tpu.memory_space<vmem>>, vector<1x128xf32>
    %add3A_12 = vector.broadcast %get3A_11 : vector<1x128xf32> to vector<1000x128xf32>
    %add3A_13 = arith.addf %mul3A_8, %add3A_12 : vector<1000x128xf32>
    %get3A_14 = arith.constant 0 : index
    %get3A_15 = arith.constant 0 : index
    %get3A_16 = vector.load %arg5[%get3A_14, %get3A_15] : memref<128x128xf32, #tpu.memory_space<vmem>>, vector<128x128xf32>
    %dot_general3A = arith.constant dense<0.000000e+00> : vector<1000x128xf32>
    %dot_general3A_17 = tpu.matmul %add3A_13, %get3A_16, %dot_general3A {dimension_numbers = #tpu.dot_dimension_numbers<[1], [0], [0], [1], [0, 0, 1, 1], [], []>, transpose_lhs_hint = false} : vector<1000x128xf32>, vector<128x128xf32>, vector<1000x128xf32> -> vector<1000x128xf32>
    %mul3A_18 = vector.broadcast %get3A_1 : vector<1000x1xf32> to vector<1000x128xf32>
    %mul3A_19 = arith.mulf %dot_general3A_17, %mul3A_18 : vector<1000x128xf32>
    %swap3A = arith.constant 0 : index
    %swap3A_20 = arith.constant 0 : index
    %swap3A_21 = vector.load %arg6[%swap3A, %swap3A_20] : memref<1000x128xf32, #tpu.memory_space<vmem>>, vector<1000x128xf32>
    tpu.vector_store %arg6[%swap3A, %swap3A_20], %mul3A_19 {strides = array<i32>} : memref<1000x128xf32, #tpu.memory_space<vmem>>, vector<1000x128xf32>,
    return
  }
  func.func @transform_0(%arg0: i32) -> (i32, i32) {
    %c0_i32 = arith.constant 0 : i32
    %c0_i32_0 = arith.constant 0 : i32
    return %arg0, %c0_i32 : i32, i32
  }
  func.func @transform_1(%arg0: i32) -> (i32, i32) {
    %c0_i32 = arith.constant 0 : i32
    %c0_i32_0 = arith.constant 0 : i32
    return %arg0, %c0_i32 : i32, i32
  }
  func.func @transform_2(%arg0: i32) -> (i32, i32) {
    %c0_i32 = arith.constant 0 : i32
    %c0_i32_0 = arith.constant 0 : i32
    return %arg0, %c0_i32 : i32, i32
  }
  func.func @transform_3(%arg0: i32) -> (i32, i32) {
    %c0_i32 = arith.constant 0 : i32
    %c0_i32_0 = arith.constant 0 : i32
    %c0_i32_1 = arith.constant 0 : i32
    return %c0_i32, %c0_i32_0 : i32, i32
  }
  func.func @transform_4(%arg0: i32) -> (i32, i32) {
    %c0_i32 = arith.constant 0 : i32
    %c0_i32_0 = arith.constant 0 : i32
    %c0_i32_1 = arith.constant 0 : i32
    return %c0_i32, %c0_i32_0 : i32, i32
  }
  func.func @transform_5(%arg0: i32) -> (i32, i32) {
    %c0_i32 = arith.constant 0 : i32
    %c0_i32_0 = arith.constant 0 : i32
    return %arg0, %c0_i32 : i32, i32
  }
}

module attributes {stable_mosaic.version = 14 : i64} {
  func.func @_mm_scale_body(%arg0: i32, %arg1: memref<1000x128xf32, #tpu.memory_space<vmem>>, %arg2: memref<128x128xf32, #tpu.memory_space<vmem>>, %arg3: memref<1000x128xf32, #tpu.memory_space<vmem>>, %arg4: memref<1000x128xf32, #tpu.memory_space<vmem>>, %arg5: memref<1000x128xf32, #tpu.memory_space<vmem>>, %arg6: memref<1000x16xf32, #tpu.memory_space<vmem>>) attributes {dimension_semantics = [#tpu.dimension_semantics<arbitrary>], iteration_bounds = array<i64: 10>, scalar_prefetch = 0 : i64, scratch_operands = 0 : i64, tpu.core_type = #tpu.core_type<tc>, window_params = [{transform_indices = @transform_0, window_bounds = array<i64: 1000, 128>}, {pipeline_mode = #tpu.pipeline_mode<synchronous>, transform_indices = @transform_1, window_bounds = array<i64: 128, 128>}, {transform_indices = @transform_2, window_bounds = array<i64: 1000, 128>}, {transform_indices = @transform_3, window_bounds = array<i64: 1000, 128>}, {transform_indices = @transform_4, window_bounds = array<i64: 1000, 128>}, {transform_indices = @transform_5, window_bounds = array<i64: 1000, 16>}]} {
    %get3A = arith.constant 0 : index
    %get3A_0 = arith.constant 0 : index
    %get3A_1 = vector.load %arg3[%get3A, %get3A_0] : memref<1000x128xf32, #tpu.memory_space<vmem>>, vector<1000x1xf32>
    %get3A_2 = arith.constant 0 : index
    %get3A_3 = arith.constant 0 : index
    %get3A_4 = vector.load %arg4[%get3A_2, %get3A_3] : memref<1000x128xf32, #tpu.memory_space<vmem>>, vector<1000x1xf32>
    %add3A = arith.addf %get3A_1, %get3A_4 : vector<1000x1xf32>
    %add3A_5 = arith.constant 1.000000e+00 : f32
    %add3A_6 = vector.broadcast %add3A_5 : f32 to vector<1000x1xf32>
    %add3A_7 = arith.addf %add3A, %add3A_6 : vector<1000x1xf32>
    %rsqrt3A = math.rsqrt %add3A_7 : vector<1000x1xf32>
    %get3A_8 = arith.constant 0 : index
    %get3A_9 = arith.constant 0 : index
    %get3A_10 = vector.load %arg1[%get3A_8, %get3A_9] : memref<1000x128xf32, #tpu.memory_space<vmem>>, vector<1000x128xf32>
    %get3A_11 = arith.constant 0 : index
    %get3A_12 = arith.constant 0 : index
    %get3A_13 = vector.load %arg2[%get3A_11, %get3A_12] : memref<128x128xf32, #tpu.memory_space<vmem>>, vector<128x128xf32>
    %dot_general3A = arith.constant dense<0.000000e+00> : vector<1000x128xf32>
    %dot_general3A_14 = tpu.matmul %get3A_10, %get3A_13, %dot_general3A {dimension_numbers = #tpu.dot_dimension_numbers<[1], [0], [0], [1], [0, 0, 1, 1], [], []>, transpose_lhs_hint = false} : vector<1000x128xf32>, vector<128x128xf32>, vector<1000x128xf32> -> vector<1000x128xf32>
    %mul3A = vector.broadcast %rsqrt3A : vector<1000x1xf32> to vector<1000x128xf32>
    %mul3A_15 = arith.mulf %dot_general3A_14, %mul3A : vector<1000x128xf32>
    %swap3A = arith.constant 0 : index
    %swap3A_16 = arith.constant 0 : index
    %swap3A_17 = vector.load %arg5[%swap3A, %swap3A_16] : memref<1000x128xf32, #tpu.memory_space<vmem>>, vector<1000x128xf32>
    tpu.vector_store %arg5[%swap3A, %swap3A_16], %mul3A_15 {strides = array<i32>} : memref<1000x128xf32, #tpu.memory_space<vmem>>, vector<1000x128xf32>,
    %broadcast_in_dim3A = vector.shape_cast %rsqrt3A : vector<1000x1xf32> to vector<1000x1xf32>
    %broadcast_in_dim3A_18 = vector.broadcast %broadcast_in_dim3A : vector<1000x1xf32> to vector<1000x16xf32>
    %swap3A_19 = arith.constant 0 : index
    %swap3A_20 = arith.constant 0 : index
    %swap3A_21 = vector.load %arg6[%swap3A_19, %swap3A_20] : memref<1000x16xf32, #tpu.memory_space<vmem>>, vector<1000x16xf32>
    tpu.vector_store %arg6[%swap3A_19, %swap3A_20], %broadcast_in_dim3A_18 {strides = array<i32>} : memref<1000x16xf32, #tpu.memory_space<vmem>>, vector<1000x16xf32>,
    return
  }
  func.func @transform_0(%arg0: i32) -> (i32, i32) {
    %c0_i32 = arith.constant 0 : i32
    %c0_i32_0 = arith.constant 0 : i32
    return %arg0, %c0_i32 : i32, i32
  }
  func.func @transform_1(%arg0: i32) -> (i32, i32) {
    %c0_i32 = arith.constant 0 : i32
    %c0_i32_0 = arith.constant 0 : i32
    %c0_i32_1 = arith.constant 0 : i32
    return %c0_i32, %c0_i32_0 : i32, i32
  }
  func.func @transform_2(%arg0: i32) -> (i32, i32) {
    %c0_i32 = arith.constant 0 : i32
    %c0_i32_0 = arith.constant 0 : i32
    return %arg0, %c0_i32 : i32, i32
  }
  func.func @transform_3(%arg0: i32) -> (i32, i32) {
    %c0_i32 = arith.constant 0 : i32
    %c0_i32_0 = arith.constant 0 : i32
    return %arg0, %c0_i32 : i32, i32
  }
  func.func @transform_4(%arg0: i32) -> (i32, i32) {
    %c0_i32 = arith.constant 0 : i32
    %c0_i32_0 = arith.constant 0 : i32
    return %arg0, %c0_i32 : i32, i32
  }
  func.func @transform_5(%arg0: i32) -> (i32, i32) {
    %c0_i32 = arith.constant 0 : i32
    %c0_i32_0 = arith.constant 0 : i32
    return %arg0, %c0_i32 : i32, i32
  }
}

module attributes {stable_mosaic.version = 14 : i64} {
  func.func @_finish_body(%arg0: i32, %arg1: memref<1000x128xf32, #tpu.memory_space<vmem>>, %arg2: memref<1000x128xf32, #tpu.memory_space<vmem>>, %arg3: memref<1000x16xf32, #tpu.memory_space<vmem>>, %arg4: memref<1x128xf32, #tpu.memory_space<vmem>>, %arg5: memref<1000x128xf32, #tpu.memory_space<vmem>>) attributes {dimension_semantics = [#tpu.dimension_semantics<arbitrary>], iteration_bounds = array<i64: 10>, scalar_prefetch = 0 : i64, scratch_operands = 0 : i64, tpu.core_type = #tpu.core_type<tc>, window_params = [{transform_indices = @transform_0, window_bounds = array<i64: 1000, 128>}, {transform_indices = @transform_1, window_bounds = array<i64: 1000, 128>}, {transform_indices = @transform_2, window_bounds = array<i64: 1000, 16>}, {pipeline_mode = #tpu.pipeline_mode<synchronous>, transform_indices = @transform_3, window_bounds = array<i64: 1, 128>}, {transform_indices = @transform_4, window_bounds = array<i64: 1000, 128>}]} {
    %get3A = arith.constant 0 : index
    %get3A_0 = arith.constant 0 : index
    %get3A_1 = vector.load %arg3[%get3A, %get3A_0] : memref<1000x16xf32, #tpu.memory_space<vmem>>, vector<1000x1xf32>
    %get3A_2 = arith.constant 0 : index
    %get3A_3 = arith.constant 0 : index
    %get3A_4 = vector.load %arg1[%get3A_2, %get3A_3] : memref<1000x128xf32, #tpu.memory_space<vmem>>, vector<1000x128xf32>
    %get3A_5 = arith.constant 0 : index
    %get3A_6 = arith.constant 0 : index
    %get3A_7 = vector.load %arg2[%get3A_5, %get3A_6] : memref<1000x128xf32, #tpu.memory_space<vmem>>, vector<1000x128xf32>
    %add3A = arith.addf %get3A_4, %get3A_7 : vector<1000x128xf32>
    %mul3A = vector.broadcast %get3A_1 : vector<1000x1xf32> to vector<1000x128xf32>
    %mul3A_8 = arith.mulf %add3A, %mul3A : vector<1000x128xf32>
    %get3A_9 = arith.constant 0 : index
    %get3A_10 = arith.constant 0 : index
    %get3A_11 = vector.load %arg4[%get3A_9, %get3A_10] : memref<1x128xf32, #tpu.memory_space<vmem>>, vector<1x128xf32>
    %add3A_12 = vector.broadcast %get3A_11 : vector<1x128xf32> to vector<1000x128xf32>
    %add3A_13 = arith.addf %mul3A_8, %add3A_12 : vector<1000x128xf32>
    %swap3A = arith.constant 0 : index
    %swap3A_14 = arith.constant 0 : index
    %swap3A_15 = vector.load %arg5[%swap3A, %swap3A_14] : memref<1000x128xf32, #tpu.memory_space<vmem>>, vector<1000x128xf32>
    tpu.vector_store %arg5[%swap3A, %swap3A_14], %add3A_13 {strides = array<i32>} : memref<1000x128xf32, #tpu.memory_space<vmem>>, vector<1000x128xf32>,
    return
  }
  func.func @transform_0(%arg0: i32) -> (i32, i32) {
    %c0_i32 = arith.constant 0 : i32
    %c0_i32_0 = arith.constant 0 : i32
    return %arg0, %c0_i32 : i32, i32
  }
  func.func @transform_1(%arg0: i32) -> (i32, i32) {
    %c0_i32 = arith.constant 0 : i32
    %c0_i32_0 = arith.constant 0 : i32
    return %arg0, %c0_i32 : i32, i32
  }
  func.func @transform_2(%arg0: i32) -> (i32, i32) {
    %c0_i32 = arith.constant 0 : i32
    %c0_i32_0 = arith.constant 0 : i32
    return %arg0, %c0_i32 : i32, i32
  }
  func.func @transform_3(%arg0: i32) -> (i32, i32) {
    %c0_i32 = arith.constant 0 : i32
    %c0_i32_0 = arith.constant 0 : i32
    %c0_i32_1 = arith.constant 0 : i32
    return %c0_i32, %c0_i32_0 : i32, i32
  }
  func.func @transform_4(%arg0: i32) -> (i32, i32) {
    %c0_i32 = arith.constant 0 : i32
    %c0_i32_0 = arith.constant 0 : i32
    return %arg0, %c0_i32 : i32, i32
  }
}

</mosaic_0001>

<sc_bundles>
// kernel: kernel.11.cloned.1.call-start
scs
__scs_entry_jumppad:
0x0: {  	(pc) =	sbr.rel $0x88, $3  }
0x1: {  	(tag) =	ssettag $0x0;
	lr =	simm.s32 $0x1  }
0x2: {  	[smem:$0x3F9B] =	sst lr;
	_ =	strace $0xD0000000  }
0x3: {  	_ = 	snop  }
0x4: {  	_ = 	snop  }
0x5: {  	_ = 	snop  }
0x6: {  	_ = 	snop  }
0x7: {  	_ = 	snop  }
__scs_overlays_trampoline_lowered:
0x8: {  	[smem:$0x3FAA] =	sst s0  }
0x9: {  	[smem:$0x3FAB] =	sst s1  }
0xa: {  	[smem:$0x3FAC] =	sst s2  }
0xb: {  	[smem:$0x3FAD] =	sst s3  }
0xc: {  	[smem:$0x3FAE] =	sst s4  }
0xd: {  	[smem:$0x3FAF] =	sst s5  }
0xe: {  	[smem:$0x3FB0] =	sst s6  }
0xf: {  	[smem:$0x3FB1] =	sst s7  }
0x10: {  	[smem:$0x3FB2] =	sst s8  }
0x11: {  	[smem:$0x3FB3] =	sst s9;
	s0 =	simm.s32 @!p0 $0x0  }
0x12: {  	s1 =	sld [smem:$0x3F99];
	s0 =	simm.s32 @p0 $0x1  }
0x13: {  	[smem:$0x3FB4] =	sst s0;
	s0 =	simm.s32 @!p1 $0x0  }
0x14: {  	s2 =	sld [smem:$0x3F98];
	s0 =	simm.s32 @p1 $0x1  }
0x15: {  	[smem:$0x3FB5] =	sst s0;
	s0 =	simm.s32 @!p2 $0x0  }
0x16: {  	s3 =	sld [smem:$0x3FDB];
	s0 =	simm.s32 @p2 $0x1  }
0x17: {  	s4 =	simm.s32 $0x1BF5;
	[smem:$0x3FB7] =	sst s0  }
0x18: {  	s0 =	sld [smem:$0x3F9A];
	_ =	swait.ge [sflag:s4], $0x0  }
0x19: {  	s7 =	sld [smem:$0x3F9B]  }
0x1a: {  	s8 =	sadd.s32 $0xFFFFE003, lr  }
0x1b: {  	s9 =	sadd.s32 $0xFFFFFEF7, lr;
	s5 =	simm.s32 $0xFFFFFFFF;
	p2 =	slt.u32 s8, $0xFFFFF086  }
0x1c: {  	p1 =	slt.u32 s9, $0xF7A;
	s5 =	simm.s32 @!p2 $0x0  }
0x1d: {  	s5 =	simm.s32 @p1 $0x1;
	p0 =	seq.s32 s7, s2  }
0x1e: {  	s7 =	smul.u32 @!p0 $0xF7A, s2;
	p2 =	seq.s32 @!p0 s5, $0x0  }
0x1f: {  	s9 =	smul.u32 $0xF7A, s1;
	s8 =	simm.s32 @!p0 $0x1BF5;
	p2 =	por !p2, p0  }
0x20: {  	[sflag:s8] =	ssyncset.s32 @!p0 $0xFFFFF086;
	s6 =	sadd.s32 @!p0 s3, s7;
	s7 =	simm.s32 @!p0 $0x108  }
0x21: {  	s3 =	sadd.s32 s3, s9;
	s6 =	sadd.s32 @!p0 $0x88, s6;
	s7 =	simm.s32 @p2 $0x1082  }
0x22: {  	[simem:s7], [sflag:s8] =	dma.local @!p0 [hbm:s6], $0xF7A  }
0x23: {  	s9 =	sor.u32 $0xD0000000, s2;
	s6 =	simm.s32 $0x108;
	_ =	swait.ge @!p0 [sflag:s8], $0x0  }
0x24: {  	s3 =	sadd.s32 $0x88, s3;
	s6 =	simm.s32 @!p1 $0x1082;
	[sflag:s4] =	ssyncset.s32 $0xFFFFF086  }
0x25: {  	[simem:s6], [sflag:s4] =	dma.local [hbm:s3], $0xF7A  }
0x26: {  	[smem:$0x3F9B] =	sst s1;
	(tag) =	ssettag s2;
	_ =	strace s9  }
0x27: {  	s1 =	sld [smem:$0x3FAB]  }
0x28: {  	s2 =	sld [smem:$0x3FAC]  }
0x29: {  	s4 =	sld [smem:$0x3FAE]  }
0x2a: {  	p0 =	seq.s32 s5, $0x0;
	s5 =	sld [smem:$0x3FAF]  }
0x2b: {  	s6 =	sld [smem:$0x3FB0]  }
0x2c: {  	s7 =	sld [smem:$0x3FB1]  }
0x2d: {  	s3 =	simm.s32 $0x108;
	s8 =	sld [smem:$0x3FB2]  }
0x2e: {  	s3 =	simm.s32 @!p0 $0x1082;
	s9 =	sld [smem:$0x3FB3]  }
0x2f: {  	lr =	sadd.s32 s0, s3;
	s0 =	sld [smem:$0x3FAA]  }
0x30: {  	s3 =	sld [smem:$0x3FAD]  }
0x31: {  	[smem:$0x3FB6] =	sst s10  }
0x32: {  	s10 =	sld [smem:$0x3FB4];
	_ =	sdelay $0x3  }
0x33: {  	p0 =	seq.s32 s10, $0x1;
	s10 =	sld [smem:$0x3FB6];
	_ =	sdelay $0x3  }
0x34: {  	[smem:$0x3FB6] =	sst s10  }
0x35: {  	s10 =	sld [smem:$0x3FB5];
	_ =	sdelay $0x3  }
0x36: {  	p1 =	seq.s32 s10, $0x1;
	s10 =	sld [smem:$0x3FB6];
	_ =	sdelay $0x3  }
0x37: {  	[smem:$0x3FB6] =	sst s10  }
0x38: {  	s10 =	sld [smem:$0x3FB7]  }
0x39: {  	_ = 	snop;
	(pc) =	sbr.ind lr, $3  }
0x3a: {  	_ = 	snop  }
0x3b: {  	_ = 	snop  }
0x3c: {  	p2 =	seq.s32 s10, $0x1;
	s10 =	sld [smem:$0x3FB6]  }
0x3d: {  	_ =	shalt  }
0x3e: {  	_ =	shalt  }
0x3f: {  	_ =	shalt  }
0x40: {  	_ =	shalt  }
0x41: {  	_ =	shalt  }
0x42: {  	_ =	shalt  }
0x43: {  	_ =	shalt  }
0x44: {  	_ =	shalt  }
0x45: {  	_ =	shalt  }
0x46: {  	_ =	shalt  }
0x47: {  	_ =	shalt  }
0x48: {  	_ =	shalt  }
0x49: {  	_ =	shalt  }
0x4a: {  	_ =	shalt  }
0x4b: {  	_ =	shalt  }
0x4c: {  	_ =	shalt  }
0x4d: {  	_ =	shalt  }
0x4e: {  	_ =	shalt  }
0x4f: {  	_ =	shalt  }
0x50: {  	_ =	shalt  }
0x51: {  	_ =	shalt  }
0x52: {  	_ =	shalt  }
0x53: {  	_ =	shalt  }
0x54: {  	_ =	shalt  }
0x55: {  	_ =	shalt  }
0x56: {  	_ =	shalt  }
0x57: {  	_ =	shalt  }
0x58: {  	_ =	shalt  }
0x59: {  	_ =	shalt  }
0x5a: {  	_ =	shalt  }
0x5b: {  	_ =	shalt  }
0x5c: {  	_ =	shalt  }
0x5d: {  	_ =	shalt  }
0x5e: {  	_ =	shalt  }
0x5f: {  	_ =	shalt  }
0x60: {  	_ =	shalt  }
0x61: {  	_ =	shalt  }
0x62: {  	_ =	shalt  }
0x63: {  	_ =	shalt  }
0x64: {  	_ =	shalt  }
0x65: {  	_ =	shalt  }
0x66: {  	_ =	shalt  }
0x67: {  	_ =	shalt  }
0x68: {  	_ =	shalt  }
0x69: {  	_ =	shalt  }
0x6a: {  	_ =	shalt  }
0x6b: {  	_ =	shalt  }
0x6c: {  	_ =	shalt  }
0x6d: {  	_ =	shalt  }
0x6e: {  	_ =	shalt  }
0x6f: {  	_ =	shalt  }
0x70: {  	_ =	shalt  }
0x71: {  	_ =	shalt  }
0x72: {  	_ =	shalt  }
0x73: {  	_ =	shalt  }
0x74: {  	_ =	shalt  }
0x75: {  	_ =	shalt  }
0x76: {  	_ =	shalt  }
0x77: {  	_ =	shalt  }
0x78: {  	_ =	shalt  }
0x79: {  	_ =	shalt  }
0x7a: {  	_ =	shalt  }
0x7b: {  	_ =	shalt  }
0x7c: {  	_ =	shalt  }
0x7d: {  	_ =	shalt  }
0x7e: {  	_ =	shalt  }
0x7f: {  	_ =	shalt  }
0x80: {  	_ =	shalt  }
0x81: {  	_ =	shalt  }
0x82: {  	_ =	shalt  }
0x83: {  	_ =	shalt  }
0x84: {  	_ =	shalt  }
0x85: {  	_ =	shalt  }
0x86: {  	_ =	shalt  }
0x87: {  	_ =	shalt  }
.Lfunc_end0:
.L_simem_size_0:
called_computation.1_lowered:
.L_overlay_start_0:
0x88: {  	s2 =	sld [smem:$0x3FD9]  }
0x89: {  	s3 =	sld [smem:$0x3FFE];
	_ =	sdelay $0x1  }
0x8a: {  	s1 =	srdreg.scid  }
0x8b: {  	s0 =	sand.u32 $0x1, s1  }
0x8c: {  	s17 =	sshll.u32 s0, $0xA;
	s2 =	sadd.s32 s3, s2  }
0x8d: {  	s2 =	sadd.s32 s2, s17  }
0x8e: {  	[smem:$0x3FC2] =	sst s2  }
0x8f: {  	_ = 	snop  }
0x90: {  	s2 =	sld [smem:$0x3FD0];
	(tm) =	ssettm $0x1  }
0x91: {  	s18 =	sld [smem:$0x3FFB];
	_ =	sdelay $0x3  }
0x92: {  	_ =	strace s18  }
0x93: {  	s3 =	sld [smem:$0x3FFC];
	_ =	sdelay $0x3  }
0x94: {  	_ =	strace s3  }
0x95: {  	s3 =	sld [smem:$0x3FFD];
	_ =	sdelay $0x3  }
0x96: {  	_ =	strace s3  }
0x97: {  	_ =	strace $0x8FFFFFFF  }
0x98: {  	s19 =	sld [smem:$0x3FDB];
	_ =	sdelay $0x1  }
0x99: {  	s4 =	simm.s32 $_scs_section_size  }
0x9a: {  	s5 =	simm.s32 $_size__tile_overlayer_lowered;
	s6 =	simm.s32 $_tile_overlayer_lowered  }
0x9b: {  	s22 =	simm.s32 $0x1BFF;
	s21 =	sshll.u32 s6, $0x1;
	s3 =	sadd.s32 s4, s19  }
0x9c: {  	s7 =	simm.s32 $0x0;
	s20 =	sshll.u32 s5, $0x1;
	s5 =	sadd.s32 s21, s3  }
0x9d: {  	[timem:s7], [sflag:s22] =	dma.local [hbm:s5], s20  }
0x9e: {  	_ =	swait.ge [sflag:s22], s20  }
0x9f: {  	s4 =	ssub.s32 $0x0, s20;
	[sflag:s22] =	ssyncset.done $0x0  }
0xa0: {  	[sflag:s22] =	ssyncadd.s32 s4;
	_ =	sdelay $0x1  }
0xa1: {  	s23 =	simm.s32 $0x1B8B  }
0xa2: {  	_ =	swait.ge [sflag:s23], $0x1  }
0xa3: {  	[sflag:s23] =	ssyncset.done $0x0  }
0xa4: {  	s25 =	simm.s32 $0x1B8E;
	s24 =	sld [smem:$0x3FFE];
	[sflag:s23] =	ssyncadd.s32 $0xFFFFFFFF  }
0xa5: {  	s26 =	simm.s32 $execute0_lowered;
	[smem:$0x3FD2] =	sst s25  }
0xa6: {  	s5 =	sshll.u32 s26, $0x1;
	_ =	strace $0x80000049;
	[dreg:$0x1] =	wrdreg $0xFFFFFFFF  }
0xa7: {  	s28 =	simm.s32 $_size_execute0_lowered;
	s3 =	sadd.s32 s3, s5;
	[dreg:$0x0] =	wrdreg $0x0  }
0xa8: {  	s5 =	sshll.u32 s28, $0x1;
	[dreg:$0x2] =	wrdreg s3  }
0xa9: {  	[dreg:$0x3] =	wrdreg s5  }
0xaa: {  	[dreg:$0x4] =	wrdreg $0xC0  }
0xab: {  	_ =	task [dreg:s7], $0x5FFFF  }
0xac: {  	[dreg:$0x1] =	wrdreg $0xFFFFFFFF  }
0xad: {  	[dreg:$0x0] =	wrdreg $0x60  }
0xae: {  	[dreg:$0x2] =	wrdreg s24  }
0xaf: {  	[dreg:$0x3] =	wrdreg s2  }
0xb0: {  	[dreg:$0x4] =	wrdreg $0x4A000  }
0xb1: {  	[dreg:$0x5] =	wrdreg $0x9  }
0xb2: {  	_ =	task.clear_ibuf [dreg:s7], $0x6FFFF;
	_ =	strace $0x90000049  }
0xb3: {  	s29 =	simm.s32 $0x9;
	_ =	strace $0x8000004B  }
0xb4: {  	_ =	swait.ge [sflag:s29], $0x1  }
0xb5: {  	[sflag:s29] =	ssyncadd.s32 $0xFFFFFFFF  }
0xb6: {  	_ =	strace $0x9000004B  }
0xb7: {  	_ =	sfence  }
0xb8: {  	s30 =	sld [smem:$0x0];
	_ =	sdelay $0x2  }
0xb9: {  	s31 =	sshll.u32 s1, $0xD;
	s1 =	sshrl.u32 s1, $0x2  }
0xba: {  	s3 =	sand.u32 $0x4000, s31;
	s1 =	sadd.s32 s1, s30  }
0xbb: {  	s0 =	sor.u32 s3, s0;
	s1 =	sshll.u32 s1, $0x11  }
0xbc: {  	s0 =	sor.u32 s1, s0  }
0xbd: {  	s0 =	sadd.s32 $0x8F2B, s0  }
0xbe: {  	[sflag:s0] =	ssyncadd.remote.s32 $0x1  }
0xbf: {  	_ =	sfence.sel $0xFFFF  }
0xc0: {  	[dreg:$0x0] =	wrdreg $0xFFFFFFFF;
	(pc) =	sbr.abs _section_cstart, $3  }
0xc1: {  	[dreg:$0x1] =	wrdreg $0xFFFFFFFF  }
0xc2: {  	_ =	task.clear_ibuf [dreg:s7], $0x2FFFF;
	_ =	strace $0x9FFFFFFF  }
0xc3: {  	(tm) =	ssettm $0x7FFFFFFF  }
tec
execute0_lowered:
.L_overlay_start_1:
0x0: {  	(tag) =	ssettag $0x1  }
0x1: {  	s0 =	rddreg [dreg:$0x0]  }
0x2: {  	s2 =	rddreg [dreg:$0x1]  }
0x3: {  	s1 =	rddreg [dreg:$0x2];
	s3 =	simm.s32 $0x0;
	s21 =	stileid.u32  }
0x4: {  	s5 =	srdreg.scid;
	s28 =	simm.s32 $0x10;
	s29 =	simm.s32 $0x4200  }
0x5: {  	s30 =	simm.s32 $0x0;
	[smem:$0x7FF] =	sst s3;
	s4 =	sadd.s32 $0x16C00, s0  }
0x6: {  	s6 =	sadd.s32 $0x3000, s0;
	s8 =	smul.u32 $0x2780, s21;
	s9 =	sand.u32 $0x1, s5  }
0x7: {  	s10 =	sadd.s32 $0xCE00, s0;
	s7 =	smul.u32 $0x4F000, s21;
	s23 =	sadd.s32 $0x3BC80, s0  }
0x8: {  	s16 =	smul.u32 $0x2710, s21;
	s14 =	sadd.s32 $0x8A080, s0;
	_ =	strace $0x8000004A  }
0x9: {  	s5 =	sshll.u32 s9, $0x4;
	s11 =	ssub.s32 $0x2, s9;
	s22 =	smul.u32 $0x27100, s9  }
0xa: {  	[dreg:$0x7] =	wrdreg s23;
	p3 =	sne.s32 s9, $0x0;
	s23 =	simm.s32 $0x200  }
0xb: {  	s15 =	sadd.s32 s8, s0;
	s5 =	sor.u32 s21, s5;
	s12 =	sshrl.u32 s11, $0x1  }
0xc: {  	s7 =	sshrl.u32 s7, $0x2;
	s19 =	sadd.s32 s2, s8;
	s2 =	sadd.s32 $0x25080, s2  }
0xd: {  	s8 =	sadd.s32 s4, s8;
	p1 =	seq.s32 @p3 s21, $0xF;
	p4 =	seq.s32 @!p3 s21, $0xF  }
0xe: {  	s21 =	simm.s32 $0x2;
	s13 =	smul.u32 $0x2710, s5;
	[dreg:$0x4] =	wrdreg s19  }
0xf: {  	s17 =	ssub.s32 s11, s12;
	s5 =	sadd.s32 s7, s1;
	[dreg:$0x5] =	wrdreg s2  }
0x10: {  	s7 =	sadd.s32 $0x128400, s1;
	[dreg:$0x6] =	wrdreg s8;
	s25 =	sadd.s32 $0x65000, s15  }
0x11: {  	s15 =	sadd.s32 $0x3DE00, s15;
	s26 =	sadd.s32 s16, s22;
	s16 =	sadd.s32 $0x62E80, s0  }
0x12: {  	p0 =	por !p1, !p3;
	p1 =	por p1, !p3;
	p2 =	por !p4, p3  }
0x13: {  	p3 =	por p4, p3;
	s22 =	simm.s32 $0x80;
	[dreg:$0xa] =	wrdreg s25  }
0x14: {  	s31 =	sshrl.u32 s26, $0x3;
	s17 =	smax.u32 s17, $0x1;
	s20 =	sshrl.u32 s13, $0x3  }
0x15: {  	s25 =	simm.s32 $0x100;
	s26 =	simm.s32 $0x180;
	s2 =	sadd.s32 $0x4E0, s20  }
0x16: {  	s18 =	sadd.s32 s31, s10;
	s19 =	sadd.s32 s31, s6;
	s24 =	sadd.s32 s6, s2  }
0x17: {  	s13 =	smov.u32 s7;
	s2 =	sadd.s32 s10, s2;
	[dreg:$0x8] =	wrdreg s24  }
0x18: {  	s20 =	sshrl.u32 @!p0 s7, $0x3;
	[dreg:$0x9] =	wrdreg s2;
	s24 =	simm.s32 $0x1  }
.LBB2_1:
0x19: {  	s0 =	simm.s32 @!p0 $0x1FC2;
	s2 =	rddreg [dreg:$0x5]  }
0x1a: {  	[spmem:s20], [sflag:s0] =	dma.local @!p0 [hbm:s2], $0x2080  }
0x1b: {  	s7 =	stileid.u32;
	s0 =	simm.s32 @!p0 $0x2  }
0x1c: {  	s2 =	sshll.u32 @!p1 s7, $0x6;
	_ =	swait.ge @!p0 [sflag:s0], $0x2080  }
0x1d: {  	s31 =	sor.u32 @!p1 $0x1C02, s2;
	[sflag:s0] =	ssyncset.done @!p0 $0x0  }
0x1e: {  	s2 =	rddreg [dreg:$0x4];
	[sflag:s0] =	ssyncadd.s32 @!p0 $0xFFFFDF80;
	s0 =	sshrl.u32 @!p1 s5, $0x3  }
0x1f: {  	[spmem:s0], [sflag:s31] =	dma.local @!p1 [hbm:s2], $0x2780  }
0x20: {  	s2 =	simm.s32 @!p1 $0x2  }
0x21: {  	_ =	swait.ge @!p1 [sflag:s2], $0x2780  }
0x22: {  	s6 =	simm.s32 @!p2 $0x1FC2;
	[sflag:s2] =	ssyncset.done @!p1 $0x0  }
0x23: {  	s8 =	rddreg [dreg:$0x7];
	[sflag:s2] =	ssyncadd.s32 @!p1 $0xFFFFD880;
	s2 =	sshrl.u32 @!p2 s13, $0x3  }
0x24: {  	[spmem:s2], [sflag:s6] =	dma.local @!p2 [hbm:s8], $0x2080  }
0x25: {  	s6 =	simm.s32 @!p2 $0x2  }
0x26: {  	s9 =	simm.s32 @!p3 $0x2;
	_ =	swait.ge @!p2 [sflag:s6], $0x2080  }
0x27: {  	s8 =	sshll.u32 @!p3 s7, $0x6;
	[sflag:s6] =	ssyncset.done @!p2 $0x0;
	s7 =	rddreg [dreg:$0x6]  }
0x28: {  	[sflag:s6] =	ssyncadd.s32 @!p2 $0xFFFFDF80;
	s6 =	sor.u32 @!p3 $0x1C02, s8;
	s8 =	sshrl.u32 @!p3 s5, $0x3  }
0x29: {  	[spmem:s8], [sflag:s6] =	dma.local @!p3 [hbm:s7], $0x2780  }
0x2a: {  	_ =	swait.ge @!p3 [sflag:s9], $0x2780  }
0x2b: {  	[sflag:s9] =	ssyncset.done @!p3 $0x0  }
0x2c: {  	[sflag:s9] =	ssyncadd.s32 @!p3 $0xFFFFD880  }
0x2d: {  	s11 =	sadd.s32 $0x0, s19;
	[bflag:$0x0] =	sbarrier.arrive $0xFFFF  }
0x2e: {  	[tilespmem:s3], [sflag:$0x2] =	stream.linear.gather [hbm4b:s11+s3], $0x80, $0x38;
	[tilespmem:$0x18280] =	vst v63  }
0x2f: {  	_ =	swait.ge [sflag:s21], $0x80  }
0x30: {  	[sflag:s21] =	ssyncset.done $0x0  }
0x31: {  	s12 =	sadd.s32 $0x0, s18;
	[sflag:s21] =	ssyncadd.s32 $0xFFFFFF80  }
0x32: {  	[tilespmem:s22], [sflag:$0x2] =	stream.linear.gather [hbm4b:s12+s3], $0x80, $0x38;
	[tilespmem:$0x18280] =	vst v63  }
0x33: {  	_ =	swait.ge [sflag:s21], $0x80  }
0x34: {  	[sflag:s21] =	ssyncset.done $0x0  }
0x35: {  	[sflag:s21] =	ssyncadd.s32 $0xFFFFFF80  }
0x36: {  	[tilespmem:s23], [sflag:$0x1] =	stream.indirect.gather [hbm4b:s4+s22], $0x80, s3, s22, $0xb8;
	[tilespmem:$0x18280] =	vst v63  }
0x37: {  	_ =	swait.ge [sflag:s24], $0x4000  }
0x38: {  	[sflag:s24] =	ssyncset.done $0x0  }
0x39: {  	[sflag:s24] =	ssyncadd.s32 $0xFFFFC000  }
0x3a: {  	[spmem:s1] =	stream.indirect.scatter.add.f32 [tilespmem:s23], [sflag:$0x2], $0x80, s22, s22, $0xb8;
	[tilespmem:$0x18280] =	vst v63  }
0x3b: {  	_ =	swait.ge [sflag:s21], $0x4000  }
0x3c: {  	s10 =	simm.s32 $0x20;
	s9 =	simm.s32 $0x10;
	[sflag:s21] =	ssyncset.done $0x0  }
.LBB2_2:
0x3d: {  	s7 =	sadd.s32 s9, s19  }
0x3e: {  	[sflag:s21] =	ssyncadd.s32 $0xFFFFC000;
	s11 =	smov.u32 s10;
	s12 =	sadd.s32 $0x10, s10  }
0x3f: {  	[tilespmem:s3], [sflag:$0x2] =	stream.linear.gather [hbm4b:s7+s3], $0x80, $0x38;
	[tilespmem:$0x18280] =	vst v63  }
0x40: {  	p4 =	sne.s32 s10, $0x4D0;
	_ =	swait.ge [sflag:s21], $0x80  }
0x41: {  	[sflag:s21] =	ssyncset.done $0x0  }
0x42: {  	s7 =	sadd.s32 s9, s18;
	s9 =	smov.u32 s11;
	[sflag:s21] =	ssyncadd.s32 $0xFFFFFF80  }
0x43: {  	[tilespmem:s22], [sflag:$0x2] =	stream.linear.gather [hbm4b:s7+s3], $0x80, $0x38;
	[tilespmem:$0x18280] =	vst v63  }
0x44: {  	_ =	swait.ge [sflag:s21], $0x80  }
0x45: {  	[sflag:s21] =	ssyncset.done $0x0  }
0x46: {  	[sflag:s21] =	ssyncadd.s32 $0xFFFFFF80  }
0x47: {  	[tilespmem:s23], [sflag:$0x1] =	stream.indirect.gather [hbm4b:s4+s22], $0x80, s3, s22, $0xb8;
	[tilespmem:$0x18280] =	vst v63  }
0x48: {  	_ =	swait.ge [sflag:s24], $0x4000  }
.Ltmp0:
0x49: {  	[sflag:s24] =	ssyncset.done $0x0;
	(pc) =	sbr.rel @p4 .LBB2_2-.Ltmp0, $4  }
0x4a: {  	[sflag:s24] =	ssyncadd.s32 $0xFFFFC000  }
0x4b: {  	[spmem:s1] =	stream.indirect.scatter.add.f32 [tilespmem:s23], [sflag:$0x2], $0x80, s22, s22, $0xb8;
	[tilespmem:$0x18280] =	vst v63  }
0x4c: {  	_ =	swait.ge [sflag:s21], $0x4000  }
0x4d: {  	s10 =	smov.u32 s12;
	[sflag:s21] =	ssyncset.done $0x0  }
0x4e: {  	s7 =	sadd.s32 s9, s19;
	[sflag:s21] =	ssyncadd.s32 $0xFFFFC000  }
0x4f: {  	[tilespmem:s3], [sflag:$0x2] =	stream.linear.gather [hbm4b:s7+s3], $0x80, $0x38;
	[tilespmem:$0x18280] =	vst v63  }
0x50: {  	_ =	swait.ge [sflag:s21], $0x80  }
0x51: {  	[sflag:s21] =	ssyncset.done $0x0  }
0x52: {  	s10 =	sadd.s32 s9, s18;
	[sflag:s21] =	ssyncadd.s32 $0xFFFFFF80  }
0x53: {  	[tilespmem:s22], [sflag:$0x2] =	stream.linear.gather [hbm4b:s10+s3], $0x80, $0x38;
	[tilespmem:$0x18280] =	vst v63  }
0x54: {  	_ =	swait.ge [sflag:s21], $0x80  }
0x55: {  	[sflag:s21] =	ssyncset.done $0x0  }
0x56: {  	[sflag:s21] =	ssyncadd.s32 $0xFFFFFF80  }
0x57: {  	[tilespmem:s23], [sflag:$0x1] =	stream.indirect.gather [hbm4b:s4+s22], $0x80, s3, s22, $0xb8;
	[tilespmem:$0x18280] =	vst v63  }
0x58: {  	_ =	swait.ge [sflag:s24], $0x4000  }
0x59: {  	[sflag:s24] =	ssyncset.done $0x0  }
0x5a: {  	[sflag:s24] =	ssyncadd.s32 $0xFFFFC000  }
0x5b: {  	[spmem:s1] =	stream.indirect.scatter.add.f32 [tilespmem:s23], [sflag:$0x2], $0x80, s22, s22, $0xb8;
	[tilespmem:$0x18280] =	vst v63  }
0x5c: {  	_ =	swait.ge [sflag:s21], $0x4000  }
0x5d: {  	[sflag:s21] =	ssyncset.done $0x0  }
0x5e: {  	s11 =	rddreg [dreg:$0x8];
	[sflag:s21] =	ssyncadd.s32 $0xFFFFC000  }
0x5f: {  	[tilespmem:s25], [sflag:$0x2] =	stream.linear.gather [hbm4b:s11+s3], $0x10, $0x38;
	[tilespmem:$0x18280] =	vst v63  }
0x60: {  	_ =	swait.ge [sflag:s21], $0x10  }
0x61: {  	[sflag:s21] =	ssyncset.done $0x0  }
0x62: {  	s12 =	rddreg [dreg:$0x9];
	[sflag:s21] =	ssyncadd.s32 $0xFFFFFFF0  }
0x63: {  	[tilespmem:s26], [sflag:$0x2] =	stream.linear.gather [hbm4b:s12+s3], $0x10, $0x38;
	[tilespmem:$0x18280] =	vst v63  }
0x64: {  	_ =	swait.ge [sflag:s21], $0x10  }
0x65: {  	[sflag:s21] =	ssyncset.done $0x0  }
0x66: {  	[sflag:s21] =	ssyncadd.s32 $0xFFFFFFF0  }
0x67: {  	[tilespmem:s29], [sflag:$0x1] =	stream.indirect.gather [hbm4b:s4+s28], $0x80, s25, s28, $0xb8;
	[tilespmem:$0x18280] =	vst v63  }
0x68: {  	_ =	swait.ge [sflag:s24], $0x800  }
0x69: {  	[sflag:s24] =	ssyncset.done $0x0  }
0x6a: {  	[sflag:s24] =	ssyncadd.s32 $0xFFFFF800  }
0x6b: {  	[spmem:s1] =	stream.indirect.scatter.add.f32 [tilespmem:s29], [sflag:$0x2], $0x80, s26, s28, $0xb8;
	[tilespmem:$0x18280] =	vst v63  }
0x6c: {  	_ =	swait.ge [sflag:s21], $0x800  }
0x6d: {  	[sflag:s21] =	ssyncset.done $0x0  }
0x6e: {  	[sflag:s21] =	ssyncadd.s32 $0xFFFFF800  }
0x6f: {  	s7 =	simm.s32 @!p0 $0x1FC2;
	[bflag:$0x0] =	sbarrier.arrive $0xFFFF  }
0x70: {  	[hbm:s14], [sflag:s7] =	dma.local @!p0 [spmem:s20], $0x2080  }
0x71: {  	s7 =	simm.s32 @!p0 $0x2  }
0x72: {  	_ =	swait.ge @!p0 [sflag:s7], $0x2080  }
0x73: {  	[sflag:s7] =	ssyncset.done @!p0 $0x0  }
0x74: {  	[sflag:s7] =	ssyncadd.s32 @!p0 $0xFFFFDF80;
	s7 =	rddreg [dreg:$0xa]  }
0x75: {  	[hbm:s7], [sflag:s31] =	dma.local @!p1 [spmem:s0], $0x2780  }
0x76: {  	s0 =	simm.s32 @!p1 $0x2  }
0x77: {  	_ =	swait.ge @!p1 [sflag:s0], $0x2780  }
0x78: {  	[sflag:s0] =	ssyncset.done @!p1 $0x0  }
0x79: {  	[sflag:s0] =	ssyncadd.s32 @!p1 $0xFFFFD880;
	s0 =	simm.s32 @!p2 $0x1FC2  }
0x7a: {  	[hbm:s16], [sflag:s0] =	dma.local @!p2 [spmem:s2], $0x2080  }
0x7b: {  	s0 =	simm.s32 @!p2 $0x2  }
0x7c: {  	s30 =	sadd.s32 $0x1, s30;
	_ =	swait.ge @!p2 [sflag:s0], $0x2080  }
0x7d: {  	p4 =	sne.s32 s30, s17;
	[sflag:s0] =	ssyncset.done @!p2 $0x0  }
.Ltmp1:
0x7e: {  	[sflag:s0] =	ssyncadd.s32 @!p2 $0xFFFFDF80;
	s0 =	simm.s32 @!p3 $0x2;
	(pc) =	sbr.rel @p4 .LBB2_1-.Ltmp1, $4  }
0x7f: {  	[hbm:s15], [sflag:s6] =	dma.local @!p3 [spmem:s8], $0x2780  }
0x80: {  	_ =	swait.ge @!p3 [sflag:s0], $0x2780  }
0x81: {  	[sflag:s0] =	ssyncset.done @!p3 $0x0  }
0x82: {  	[sflag:s0] =	ssyncadd.s32 @!p3 $0xFFFFD880  }
0x83: {  	_ =	sfence.sel $0x180000  }
0x84: {  	[bflag:$0x0] =	sbarrier.arrive $0xFFFF  }
0x85: {  	_ =	strace $0x9000004A  }
0x86: {  	s0 =	stileid.u32;
	[bflag:$0x2] =	sbarrier.arrive $0xFFFF  }
0x87: {  	p0 =	sne.s32 s0, $0x0;
	s0 =	rddreg [dreg:$0x3]  }
0x88: {  	s0 =	sadd.s32 @!p0 $0x100000, s0  }
0x89: {  	[sflag:s0] =	ssyncadd.tile.s32 @!p0 $0x1;
	_ =	shalt  }
.Lfunc_end2:
_tile_overlayer_lowered:
.L_overlay_start_2:
0x8a: {  	(tag) =	ssettag $0x2  }
0x8b: {  	s0 =	rddreg [dreg:$0x0];
	s2 =	stileid.u32  }
0x8c: {  	s1 =	rddreg [dreg:$0x1];
	p0 =	sne.s32 s2, $0x0  }
0x8d: {  	s3 =	rddreg [dreg:$0x2];
	[bflag:$0x3] =	sbarrier.arrive $0xFFFF;
	s2 =	simm.s32 @!p0 $0x1C02  }
0x8e: {  	[timem:s3], [sflag:s2] =	dma.local @!p0 [hbm:s0], s1  }
0x8f: {  	s0 =	simm.s32 @!p0 $0x2  }
0x90: {  	_ =	swait.ge @!p0 [sflag:s0], s1  }
0x91: {  	s1 =	ssub.s32 @!p0 $0x0, s1;
	[sflag:s0] =	ssyncset.done @!p0 $0x0  }
0x92: {  	[sflag:s0] =	ssyncadd.s32 @!p0 s1  }
0x93: {  	[bflag:$0x3] =	sbarrier.arrive $0xFFFF  }
0x94: {  	_ =	shalt  }

// kernel: kernel.14.cloned.1.call-start
scs
__scs_entry_jumppad:
0x0: {  	(pc) =	sbr.rel $0x88, $3  }
0x1: {  	(tag) =	ssettag $0x0;
	lr =	simm.s32 $0x1  }
0x2: {  	[smem:$0x3F9B] =	sst lr;
	_ =	strace $0xD0000000  }
0x3: {  	_ = 	snop  }
0x4: {  	_ = 	snop  }
0x5: {  	_ = 	snop  }
0x6: {  	_ = 	snop  }
0x7: {  	_ = 	snop  }
__scs_overlays_trampoline_lowered:
0x8: {  	[smem:$0x3FAA] =	sst s0  }
0x9: {  	[smem:$0x3FAB] =	sst s1  }
0xa: {  	[smem:$0x3FAC] =	sst s2  }
0xb: {  	[smem:$0x3FAD] =	sst s3  }
0xc: {  	[smem:$0x3FAE] =	sst s4  }
0xd: {  	[smem:$0x3FAF] =	sst s5  }
0xe: {  	[smem:$0x3FB0] =	sst s6  }
0xf: {  	[smem:$0x3FB1] =	sst s7  }
0x10: {  	[smem:$0x3FB2] =	sst s8  }
0x11: {  	[smem:$0x3FB3] =	sst s9;
	s0 =	simm.s32 @!p0 $0x0  }
0x12: {  	s1 =	sld [smem:$0x3F99];
	s0 =	simm.s32 @p0 $0x1  }
0x13: {  	[smem:$0x3FB4] =	sst s0;
	s0 =	simm.s32 @!p1 $0x0  }
0x14: {  	s2 =	sld [smem:$0x3F98];
	s0 =	simm.s32 @p1 $0x1  }
0x15: {  	[smem:$0x3FB5] =	sst s0;
	s0 =	simm.s32 @!p2 $0x0  }
0x16: {  	s3 =	sld [smem:$0x3FDB];
	s0 =	simm.s32 @p2 $0x1  }
0x17: {  	s4 =	simm.s32 $0x1BF5;
	[smem:$0x3FB7] =	sst s0  }
0x18: {  	s0 =	sld [smem:$0x3F9A];
	_ =	swait.ge [sflag:s4], $0x0  }
0x19: {  	s7 =	sld [smem:$0x3F9B]  }
0x1a: {  	s8 =	sadd.s32 $0xFFFFE003, lr  }
0x1b: {  	s9 =	sadd.s32 $0xFFFFFEF7, lr;
	s5 =	simm.s32 $0xFFFFFFFF;
	p2 =	slt.u32 s8, $0xFFFFF086  }
0x1c: {  	p1 =	slt.u32 s9, $0xF7A;
	s5 =	simm.s32 @!p2 $0x0  }
0x1d: {  	s5 =	simm.s32 @p1 $0x1;
	p0 =	seq.s32 s7, s2  }
0x1e: {  	s7 =	smul.u32 @!p0 $0xF7A, s2;
	p2 =	seq.s32 @!p0 s5, $0x0  }
0x1f: {  	s9 =	smul.u32 $0xF7A, s1;
	s8 =	simm.s32 @!p0 $0x1BF5;
	p2 =	por !p2, p0  }
0x20: {  	[sflag:s8] =	ssyncset.s32 @!p0 $0xFFFFF086;
	s6 =	sadd.s32 @!p0 s3, s7;
	s7 =	simm.s32 @!p0 $0x108  }
0x21: {  	s3 =	sadd.s32 s3, s9;
	s6 =	sadd.s32 @!p0 $0x88, s6;
	s7 =	simm.s32 @p2 $0x1082  }
0x22: {  	[simem:s7], [sflag:s8] =	dma.local @!p0 [hbm:s6], $0xF7A  }
0x23: {  	s9 =	sor.u32 $0xD0000000, s2;
	s6 =	simm.s32 $0x108;
	_ =	swait.ge @!p0 [sflag:s8], $0x0  }
0x24: {  	s3 =	sadd.s32 $0x88, s3;
	s6 =	simm.s32 @!p1 $0x1082;
	[sflag:s4] =	ssyncset.s32 $0xFFFFF086  }
0x25: {  	[simem:s6], [sflag:s4] =	dma.local [hbm:s3], $0xF7A  }
0x26: {  	[smem:$0x3F9B] =	sst s1;
	(tag) =	ssettag s2;
	_ =	strace s9  }
0x27: {  	s1 =	sld [smem:$0x3FAB]  }
0x28: {  	s2 =	sld [smem:$0x3FAC]  }
0x29: {  	s4 =	sld [smem:$0x3FAE]  }
0x2a: {  	p0 =	seq.s32 s5, $0x0;
	s5 =	sld [smem:$0x3FAF]  }
0x2b: {  	s6 =	sld [smem:$0x3FB0]  }
0x2c: {  	s7 =	sld [smem:$0x3FB1]  }
0x2d: {  	s3 =	simm.s32 $0x108;
	s8 =	sld [smem:$0x3FB2]  }
0x2e: {  	s3 =	simm.s32 @!p0 $0x1082;
	s9 =	sld [smem:$0x3FB3]  }
0x2f: {  	lr =	sadd.s32 s0, s3;
	s0 =	sld [smem:$0x3FAA]  }
0x30: {  	s3 =	sld [smem:$0x3FAD]  }
0x31: {  	[smem:$0x3FB6] =	sst s10  }
0x32: {  	s10 =	sld [smem:$0x3FB4];
	_ =	sdelay $0x3  }
0x33: {  	p0 =	seq.s32 s10, $0x1;
	s10 =	sld [smem:$0x3FB6];
	_ =	sdelay $0x3  }
0x34: {  	[smem:$0x3FB6] =	sst s10  }
0x35: {  	s10 =	sld [smem:$0x3FB5];
	_ =	sdelay $0x3  }
0x36: {  	p1 =	seq.s32 s10, $0x1;
	s10 =	sld [smem:$0x3FB6];
	_ =	sdelay $0x3  }
0x37: {  	[smem:$0x3FB6] =	sst s10  }
0x38: {  	s10 =	sld [smem:$0x3FB7]  }
0x39: {  	_ = 	snop;
	(pc) =	sbr.ind lr, $3  }
0x3a: {  	_ = 	snop  }
0x3b: {  	_ = 	snop  }
0x3c: {  	p2 =	seq.s32 s10, $0x1;
	s10 =	sld [smem:$0x3FB6]  }
0x3d: {  	_ =	shalt  }
0x3e: {  	_ =	shalt  }
0x3f: {  	_ =	shalt  }
0x40: {  	_ =	shalt  }
0x41: {  	_ =	shalt  }
0x42: {  	_ =	shalt  }
0x43: {  	_ =	shalt  }
0x44: {  	_ =	shalt  }
0x45: {  	_ =	shalt  }
0x46: {  	_ =	shalt  }
0x47: {  	_ =	shalt  }
0x48: {  	_ =	shalt  }
0x49: {  	_ =	shalt  }
0x4a: {  	_ =	shalt  }
0x4b: {  	_ =	shalt  }
0x4c: {  	_ =	shalt  }
0x4d: {  	_ =	shalt  }
0x4e: {  	_ =	shalt  }
0x4f: {  	_ =	shalt  }
0x50: {  	_ =	shalt  }
0x51: {  	_ =	shalt  }
0x52: {  	_ =	shalt  }
0x53: {  	_ =	shalt  }
0x54: {  	_ =	shalt  }
0x55: {  	_ =	shalt  }
0x56: {  	_ =	shalt  }
0x57: {  	_ =	shalt  }
0x58: {  	_ =	shalt  }
0x59: {  	_ =	shalt  }
0x5a: {  	_ =	shalt  }
0x5b: {  	_ =	shalt  }
0x5c: {  	_ =	shalt  }
0x5d: {  	_ =	shalt  }
0x5e: {  	_ =	shalt  }
0x5f: {  	_ =	shalt  }
0x60: {  	_ =	shalt  }
0x61: {  	_ =	shalt  }
0x62: {  	_ =	shalt  }
0x63: {  	_ =	shalt  }
0x64: {  	_ =	shalt  }
0x65: {  	_ =	shalt  }
0x66: {  	_ =	shalt  }
0x67: {  	_ =	shalt  }
0x68: {  	_ =	shalt  }
0x69: {  	_ =	shalt  }
0x6a: {  	_ =	shalt  }
0x6b: {  	_ =	shalt  }
0x6c: {  	_ =	shalt  }
0x6d: {  	_ =	shalt  }
0x6e: {  	_ =	shalt  }
0x6f: {  	_ =	shalt  }
0x70: {  	_ =	shalt  }
0x71: {  	_ =	shalt  }
0x72: {  	_ =	shalt  }
0x73: {  	_ =	shalt  }
0x74: {  	_ =	shalt  }
0x75: {  	_ =	shalt  }
0x76: {  	_ =	shalt  }
0x77: {  	_ =	shalt  }
0x78: {  	_ =	shalt  }
0x79: {  	_ =	shalt  }
0x7a: {  	_ =	shalt  }
0x7b: {  	_ =	shalt  }
0x7c: {  	_ =	shalt  }
0x7d: {  	_ =	shalt  }
0x7e: {  	_ =	shalt  }
0x7f: {  	_ =	shalt  }
0x80: {  	_ =	shalt  }
0x81: {  	_ =	shalt  }
0x82: {  	_ =	shalt  }
0x83: {  	_ =	shalt  }
0x84: {  	_ =	shalt  }
0x85: {  	_ =	shalt  }
0x86: {  	_ =	shalt  }
0x87: {  	_ =	shalt  }
.Lfunc_end0:
.L_simem_size_0:
called_computation.2_lowered:
.L_overlay_start_0:
0x88: {  	s2 =	sld [smem:$0x3FD9]  }
0x89: {  	s3 =	sld [smem:$0x3FFE];
	_ =	sdelay $0x1  }
0x8a: {  	s1 =	srdreg.scid  }
0x8b: {  	s0 =	sand.u32 $0x1, s1  }
0x8c: {  	s17 =	sshll.u32 s0, $0xA;
	s2 =	sadd.s32 s3, s2  }
0x8d: {  	s2 =	sadd.s32 s2, s17  }
0x8e: {  	[smem:$0x3FC2] =	sst s2  }
0x8f: {  	_ = 	snop  }
0x90: {  	s2 =	sld [smem:$0x3FD0];
	(tm) =	ssettm $0x1  }
0x91: {  	s18 =	sld [smem:$0x3FFB];
	_ =	sdelay $0x3  }
0x92: {  	_ =	strace s18  }
0x93: {  	s3 =	sld [smem:$0x3FFC];
	_ =	sdelay $0x3  }
0x94: {  	_ =	strace s3  }
0x95: {  	s3 =	sld [smem:$0x3FFD];
	_ =	sdelay $0x3  }
0x96: {  	_ =	strace s3  }
0x97: {  	_ =	strace $0x8FFFFFFF  }
0x98: {  	s19 =	sld [smem:$0x3FDB];
	_ =	sdelay $0x1  }
0x99: {  	s4 =	simm.s32 $_scs_section_size  }
0x9a: {  	s5 =	simm.s32 $_size__tile_overlayer_lowered;
	s6 =	simm.s32 $_tile_overlayer_lowered  }
0x9b: {  	s22 =	simm.s32 $0x1BFF;
	s21 =	sshll.u32 s6, $0x1;
	s3 =	sadd.s32 s4, s19  }
0x9c: {  	s7 =	simm.s32 $0x0;
	s20 =	sshll.u32 s5, $0x1;
	s5 =	sadd.s32 s21, s3  }
0x9d: {  	[timem:s7], [sflag:s22] =	dma.local [hbm:s5], s20  }
0x9e: {  	_ =	swait.ge [sflag:s22], s20  }
0x9f: {  	s4 =	ssub.s32 $0x0, s20;
	[sflag:s22] =	ssyncset.done $0x0  }
0xa0: {  	[sflag:s22] =	ssyncadd.s32 s4;
	_ =	sdelay $0x1  }
0xa1: {  	s23 =	simm.s32 $0x1B8B  }
0xa2: {  	_ =	swait.ge [sflag:s23], $0x1  }
0xa3: {  	[sflag:s23] =	ssyncset.done $0x0  }
0xa4: {  	s25 =	simm.s32 $0x1B8E;
	s24 =	sld [smem:$0x3FFE];
	[sflag:s23] =	ssyncadd.s32 $0xFFFFFFFF  }
0xa5: {  	s26 =	simm.s32 $execute0_lowered;
	[smem:$0x3FD2] =	sst s25  }
0xa6: {  	s5 =	sshll.u32 s26, $0x1;
	_ =	strace $0x8000004C;
	[dreg:$0x1] =	wrdreg $0xFFFFFFFF  }
0xa7: {  	s28 =	simm.s32 $_size_execute0_lowered;
	s3 =	sadd.s32 s3, s5;
	[dreg:$0x0] =	wrdreg $0x0  }
0xa8: {  	s5 =	sshll.u32 s28, $0x1;
	[dreg:$0x2] =	wrdreg s3  }
0xa9: {  	[dreg:$0x3] =	wrdreg s5  }
0xaa: {  	[dreg:$0x4] =	wrdreg $0xC0  }
0xab: {  	_ =	task [dreg:s7], $0x5FFFF  }
0xac: {  	[dreg:$0x1] =	wrdreg $0xFFFFFFFF  }
0xad: {  	[dreg:$0x0] =	wrdreg $0x60  }
0xae: {  	[dreg:$0x2] =	wrdreg s24  }
0xaf: {  	[dreg:$0x3] =	wrdreg s2  }
0xb0: {  	[dreg:$0x4] =	wrdreg $0x4A000  }
0xb1: {  	[dreg:$0x5] =	wrdreg $0x9  }
0xb2: {  	_ =	task.clear_ibuf [dreg:s7], $0x6FFFF;
	_ =	strace $0x9000004C  }
0xb3: {  	s29 =	simm.s32 $0x9;
	_ =	strace $0x8000004E  }
0xb4: {  	_ =	swait.ge [sflag:s29], $0x1  }
0xb5: {  	[sflag:s29] =	ssyncadd.s32 $0xFFFFFFFF  }
0xb6: {  	_ =	strace $0x9000004E  }
0xb7: {  	_ =	sfence  }
0xb8: {  	s30 =	sld [smem:$0x0];
	_ =	sdelay $0x2  }
0xb9: {  	s31 =	sshll.u32 s1, $0xD;
	s1 =	sshrl.u32 s1, $0x2  }
0xba: {  	s3 =	sand.u32 $0x4000, s31;
	s1 =	sadd.s32 s1, s30  }
0xbb: {  	s0 =	sor.u32 s3, s0;
	s1 =	sshll.u32 s1, $0x11  }
0xbc: {  	s0 =	sor.u32 s1, s0  }
0xbd: {  	s0 =	sadd.s32 $0x8F2B, s0  }
0xbe: {  	[sflag:s0] =	ssyncadd.remote.s32 $0x1  }
0xbf: {  	_ =	sfence.sel $0xFFFF  }
0xc0: {  	[dreg:$0x0] =	wrdreg $0xFFFFFFFF;
	(pc) =	sbr.abs _section_cstart, $3  }
0xc1: {  	[dreg:$0x1] =	wrdreg $0xFFFFFFFF  }
0xc2: {  	_ =	task.clear_ibuf [dreg:s7], $0x2FFFF;
	_ =	strace $0x9FFFFFFF  }
0xc3: {  	(tm) =	ssettm $0x7FFFFFFF  }
tec
execute0_lowered:
.L_overlay_start_1:
0x0: {  	(tag) =	ssettag $0x1  }
0x1: {  	s0 =	rddreg [dreg:$0x0]  }
0x2: {  	s2 =	rddreg [dreg:$0x1]  }
0x3: {  	s1 =	rddreg [dreg:$0x2];
	s3 =	simm.s32 $0x0;
	s21 =	stileid.u32  }
0x4: {  	s5 =	srdreg.scid;
	s28 =	simm.s32 $0x10;
	s29 =	simm.s32 $0x4200  }
0x5: {  	s30 =	simm.s32 $0x0;
	[smem:$0x7FF] =	sst s3;
	s4 =	sadd.s32 $0x16C00, s0  }
0x6: {  	s6 =	sadd.s32 $0x3000, s0;
	s8 =	smul.u32 $0x2780, s21;
	s9 =	sand.u32 $0x1, s5  }
0x7: {  	s10 =	sadd.s32 $0xCE00, s0;
	s7 =	smul.u32 $0x4F000, s21;
	s23 =	sadd.s32 $0x3BC80, s0  }
0x8: {  	s16 =	smul.u32 $0x2710, s21;
	s14 =	sadd.s32 $0x8A080, s0;
	_ =	strace $0x8000004D  }
0x9: {  	s5 =	sshll.u32 s9, $0x4;
	s11 =	ssub.s32 $0x2, s9;
	s22 =	smul.u32 $0x27100, s9  }
0xa: {  	[dreg:$0x7] =	wrdreg s23;
	p3 =	sne.s32 s9, $0x0;
	s23 =	simm.s32 $0x200  }
0xb: {  	s15 =	sadd.s32 s8, s0;
	s5 =	sor.u32 s21, s5;
	s12 =	sshrl.u32 s11, $0x1  }
0xc: {  	s7 =	sshrl.u32 s7, $0x2;
	s19 =	sadd.s32 s2, s8;
	s2 =	sadd.s32 $0x25080, s2  }
0xd: {  	s8 =	sadd.s32 s4, s8;
	p1 =	seq.s32 @p3 s21, $0xF;
	p4 =	seq.s32 @!p3 s21, $0xF  }
0xe: {  	s21 =	simm.s32 $0x2;
	s13 =	smul.u32 $0x2710, s5;
	[dreg:$0x4] =	wrdreg s19  }
0xf: {  	s17 =	ssub.s32 s11, s12;
	s5 =	sadd.s32 s7, s1;
	[dreg:$0x5] =	wrdreg s2  }
0x10: {  	s7 =	sadd.s32 $0x128400, s1;
	[dreg:$0x6] =	wrdreg s8;
	s25 =	sadd.s32 $0x65000, s15  }
0x11: {  	s15 =	sadd.s32 $0x3DE00, s15;
	s26 =	sadd.s32 s16, s22;
	s16 =	sadd.s32 $0x62E80, s0  }
0x12: {  	p0 =	por !p1, !p3;
	p1 =	por p1, !p3;
	p2 =	por !p4, p3  }
0x13: {  	p3 =	por p4, p3;
	s22 =	simm.s32 $0x80;
	[dreg:$0xa] =	wrdreg s25  }
0x14: {  	s31 =	sshrl.u32 s26, $0x3;
	s17 =	smax.u32 s17, $0x1;
	s20 =	sshrl.u32 s13, $0x3  }
0x15: {  	s25 =	simm.s32 $0x100;
	s26 =	simm.s32 $0x180;
	s2 =	sadd.s32 $0x4E0, s20  }
0x16: {  	s18 =	sadd.s32 s31, s10;
	s19 =	sadd.s32 s31, s6;
	s24 =	sadd.s32 s6, s2  }
0x17: {  	s13 =	smov.u32 s7;
	s2 =	sadd.s32 s10, s2;
	[dreg:$0x8] =	wrdreg s24  }
0x18: {  	s20 =	sshrl.u32 @!p0 s7, $0x3;
	[dreg:$0x9] =	wrdreg s2;
	s24 =	simm.s32 $0x1  }
.LBB2_1:
0x19: {  	s0 =	simm.s32 @!p0 $0x1FC2;
	s2 =	rddreg [dreg:$0x5]  }
0x1a: {  	[spmem:s20], [sflag:s0] =	dma.local @!p0 [hbm:s2], $0x2080  }
0x1b: {  	s7 =	stileid.u32;
	s0 =	simm.s32 @!p0 $0x2  }
0x1c: {  	s2 =	sshll.u32 @!p1 s7, $0x6;
	_ =	swait.ge @!p0 [sflag:s0], $0x2080  }
0x1d: {  	s31 =	sor.u32 @!p1 $0x1C02, s2;
	[sflag:s0] =	ssyncset.done @!p0 $0x0  }
0x1e: {  	s2 =	rddreg [dreg:$0x4];
	[sflag:s0] =	ssyncadd.s32 @!p0 $0xFFFFDF80;
	s0 =	sshrl.u32 @!p1 s5, $0x3  }
0x1f: {  	[spmem:s0], [sflag:s31] =	dma.local @!p1 [hbm:s2], $0x2780  }
0x20: {  	s2 =	simm.s32 @!p1 $0x2  }
0x21: {  	_ =	swait.ge @!p1 [sflag:s2], $0x2780  }
0x22: {  	s6 =	simm.s32 @!p2 $0x1FC2;
	[sflag:s2] =	ssyncset.done @!p1 $0x0  }
0x23: {  	s8 =	rddreg [dreg:$0x7];
	[sflag:s2] =	ssyncadd.s32 @!p1 $0xFFFFD880;
	s2 =	sshrl.u32 @!p2 s13, $0x3  }
0x24: {  	[spmem:s2], [sflag:s6] =	dma.local @!p2 [hbm:s8], $0x2080  }
0x25: {  	s6 =	simm.s32 @!p2 $0x2  }
0x26: {  	s9 =	simm.s32 @!p3 $0x2;
	_ =	swait.ge @!p2 [sflag:s6], $0x2080  }
0x27: {  	s8 =	sshll.u32 @!p3 s7, $0x6;
	[sflag:s6] =	ssyncset.done @!p2 $0x0;
	s7 =	rddreg [dreg:$0x6]  }
0x28: {  	[sflag:s6] =	ssyncadd.s32 @!p2 $0xFFFFDF80;
	s6 =	sor.u32 @!p3 $0x1C02, s8;
	s8 =	sshrl.u32 @!p3 s5, $0x3  }
0x29: {  	[spmem:s8], [sflag:s6] =	dma.local @!p3 [hbm:s7], $0x2780  }
0x2a: {  	_ =	swait.ge @!p3 [sflag:s9], $0x2780  }
0x2b: {  	[sflag:s9] =	ssyncset.done @!p3 $0x0  }
0x2c: {  	[sflag:s9] =	ssyncadd.s32 @!p3 $0xFFFFD880  }
0x2d: {  	s11 =	sadd.s32 $0x0, s19;
	[bflag:$0x0] =	sbarrier.arrive $0xFFFF  }
0x2e: {  	[tilespmem:s3], [sflag:$0x2] =	stream.linear.gather [hbm4b:s11+s3], $0x80, $0x38;
	[tilespmem:$0x18280] =	vst v63  }
0x2f: {  	_ =	swait.ge [sflag:s21], $0x80  }
0x30: {  	[sflag:s21] =	ssyncset.done $0x0  }
0x31: {  	s12 =	sadd.s32 $0x0, s18;
	[sflag:s21] =	ssyncadd.s32 $0xFFFFFF80  }
0x32: {  	[tilespmem:s22], [sflag:$0x2] =	stream.linear.gather [hbm4b:s12+s3], $0x80, $0x38;
	[tilespmem:$0x18280] =	vst v63  }
0x33: {  	_ =	swait.ge [sflag:s21], $0x80  }
0x34: {  	[sflag:s21] =	ssyncset.done $0x0  }
0x35: {  	[sflag:s21] =	ssyncadd.s32 $0xFFFFFF80  }
0x36: {  	[tilespmem:s23], [sflag:$0x1] =	stream.indirect.gather [hbm4b:s4+s22], $0x80, s3, s22, $0xb8;
	[tilespmem:$0x18280] =	vst v63  }
0x37: {  	_ =	swait.ge [sflag:s24], $0x4000  }
0x38: {  	[sflag:s24] =	ssyncset.done $0x0  }
0x39: {  	[sflag:s24] =	ssyncadd.s32 $0xFFFFC000  }
0x3a: {  	[spmem:s1] =	stream.indirect.scatter.add.f32 [tilespmem:s23], [sflag:$0x2], $0x80, s22, s22, $0xb8;
	[tilespmem:$0x18280] =	vst v63  }
0x3b: {  	_ =	swait.ge [sflag:s21], $0x4000  }
0x3c: {  	s10 =	simm.s32 $0x20;
	s9 =	simm.s32 $0x10;
	[sflag:s21] =	ssyncset.done $0x0  }
.LBB2_2:
0x3d: {  	s7 =	sadd.s32 s9, s19  }
0x3e: {  	[sflag:s21] =	ssyncadd.s32 $0xFFFFC000;
	s11 =	smov.u32 s10;
	s12 =	sadd.s32 $0x10, s10  }
0x3f: {  	[tilespmem:s3], [sflag:$0x2] =	stream.linear.gather [hbm4b:s7+s3], $0x80, $0x38;
	[tilespmem:$0x18280] =	vst v63  }
0x40: {  	p4 =	sne.s32 s10, $0x4D0;
	_ =	swait.ge [sflag:s21], $0x80  }
0x41: {  	[sflag:s21] =	ssyncset.done $0x0  }
0x42: {  	s7 =	sadd.s32 s9, s18;
	s9 =	smov.u32 s11;
	[sflag:s21] =	ssyncadd.s32 $0xFFFFFF80  }
0x43: {  	[tilespmem:s22], [sflag:$0x2] =	stream.linear.gather [hbm4b:s7+s3], $0x80, $0x38;
	[tilespmem:$0x18280] =	vst v63  }
0x44: {  	_ =	swait.ge [sflag:s21], $0x80  }
0x45: {  	[sflag:s21] =	ssyncset.done $0x0  }
0x46: {  	[sflag:s21] =	ssyncadd.s32 $0xFFFFFF80  }
0x47: {  	[tilespmem:s23], [sflag:$0x1] =	stream.indirect.gather [hbm4b:s4+s22], $0x80, s3, s22, $0xb8;
	[tilespmem:$0x18280] =	vst v63  }
0x48: {  	_ =	swait.ge [sflag:s24], $0x4000  }
.Ltmp0:
0x49: {  	[sflag:s24] =	ssyncset.done $0x0;
	(pc) =	sbr.rel @p4 .LBB2_2-.Ltmp0, $4  }
0x4a: {  	[sflag:s24] =	ssyncadd.s32 $0xFFFFC000  }
0x4b: {  	[spmem:s1] =	stream.indirect.scatter.add.f32 [tilespmem:s23], [sflag:$0x2], $0x80, s22, s22, $0xb8;
	[tilespmem:$0x18280] =	vst v63  }
0x4c: {  	_ =	swait.ge [sflag:s21], $0x4000  }
0x4d: {  	s10 =	smov.u32 s12;
	[sflag:s21] =	ssyncset.done $0x0  }
0x4e: {  	s7 =	sadd.s32 s9, s19;
	[sflag:s21] =	ssyncadd.s32 $0xFFFFC000  }
0x4f: {  	[tilespmem:s3], [sflag:$0x2] =	stream.linear.gather [hbm4b:s7+s3], $0x80, $0x38;
	[tilespmem:$0x18280] =	vst v63  }
0x50: {  	_ =	swait.ge [sflag:s21], $0x80  }
0x51: {  	[sflag:s21] =	ssyncset.done $0x0  }
0x52: {  	s10 =	sadd.s32 s9, s18;
	[sflag:s21] =	ssyncadd.s32 $0xFFFFFF80  }
0x53: {  	[tilespmem:s22], [sflag:$0x2] =	stream.linear.gather [hbm4b:s10+s3], $0x80, $0x38;
	[tilespmem:$0x18280] =	vst v63  }
0x54: {  	_ =	swait.ge [sflag:s21], $0x80  }
0x55: {  	[sflag:s21] =	ssyncset.done $0x0  }
0x56: {  	[sflag:s21] =	ssyncadd.s32 $0xFFFFFF80  }
0x57: {  	[tilespmem:s23], [sflag:$0x1] =	stream.indirect.gather [hbm4b:s4+s22], $0x80, s3, s22, $0xb8;
	[tilespmem:$0x18280] =	vst v63  }
0x58: {  	_ =	swait.ge [sflag:s24], $0x4000  }
0x59: {  	[sflag:s24] =	ssyncset.done $0x0  }
0x5a: {  	[sflag:s24] =	ssyncadd.s32 $0xFFFFC000  }
0x5b: {  	[spmem:s1] =	stream.indirect.scatter.add.f32 [tilespmem:s23], [sflag:$0x2], $0x80, s22, s22, $0xb8;
	[tilespmem:$0x18280] =	vst v63  }
0x5c: {  	_ =	swait.ge [sflag:s21], $0x4000  }
0x5d: {  	[sflag:s21] =	ssyncset.done $0x0  }
0x5e: {  	s11 =	rddreg [dreg:$0x8];
	[sflag:s21] =	ssyncadd.s32 $0xFFFFC000  }
0x5f: {  	[tilespmem:s25], [sflag:$0x2] =	stream.linear.gather [hbm4b:s11+s3], $0x10, $0x38;
	[tilespmem:$0x18280] =	vst v63  }
0x60: {  	_ =	swait.ge [sflag:s21], $0x10  }
0x61: {  	[sflag:s21] =	ssyncset.done $0x0  }
0x62: {  	s12 =	rddreg [dreg:$0x9];
	[sflag:s21] =	ssyncadd.s32 $0xFFFFFFF0  }
0x63: {  	[tilespmem:s26], [sflag:$0x2] =	stream.linear.gather [hbm4b:s12+s3], $0x10, $0x38;
	[tilespmem:$0x18280] =	vst v63  }
0x64: {  	_ =	swait.ge [sflag:s21], $0x10  }
0x65: {  	[sflag:s21] =	ssyncset.done $0x0  }
0x66: {  	[sflag:s21] =	ssyncadd.s32 $0xFFFFFFF0  }
0x67: {  	[tilespmem:s29], [sflag:$0x1] =	stream.indirect.gather [hbm4b:s4+s28], $0x80, s25, s28, $0xb8;
	[tilespmem:$0x18280] =	vst v63  }
0x68: {  	_ =	swait.ge [sflag:s24], $0x800  }
0x69: {  	[sflag:s24] =	ssyncset.done $0x0  }
0x6a: {  	[sflag:s24] =	ssyncadd.s32 $0xFFFFF800  }
0x6b: {  	[spmem:s1] =	stream.indirect.scatter.add.f32 [tilespmem:s29], [sflag:$0x2], $0x80, s26, s28, $0xb8;
	[tilespmem:$0x18280] =	vst v63  }
0x6c: {  	_ =	swait.ge [sflag:s21], $0x800  }
0x6d: {  	[sflag:s21] =	ssyncset.done $0x0  }
0x6e: {  	[sflag:s21] =	ssyncadd.s32 $0xFFFFF800  }
0x6f: {  	s7 =	simm.s32 @!p0 $0x1FC2;
	[bflag:$0x0] =	sbarrier.arrive $0xFFFF  }
0x70: {  	[hbm:s14], [sflag:s7] =	dma.local @!p0 [spmem:s20], $0x2080  }
0x71: {  	s7 =	simm.s32 @!p0 $0x2  }
0x72: {  	_ =	swait.ge @!p0 [sflag:s7], $0x2080  }
0x73: {  	[sflag:s7] =	ssyncset.done @!p0 $0x0  }
0x74: {  	[sflag:s7] =	ssyncadd.s32 @!p0 $0xFFFFDF80;
	s7 =	rddreg [dreg:$0xa]  }
0x75: {  	[hbm:s7], [sflag:s31] =	dma.local @!p1 [spmem:s0], $0x2780  }
0x76: {  	s0 =	simm.s32 @!p1 $0x2  }
0x77: {  	_ =	swait.ge @!p1 [sflag:s0], $0x2780  }
0x78: {  	[sflag:s0] =	ssyncset.done @!p1 $0x0  }
0x79: {  	[sflag:s0] =	ssyncadd.s32 @!p1 $0xFFFFD880;
	s0 =	simm.s32 @!p2 $0x1FC2  }
0x7a: {  	[hbm:s16], [sflag:s0] =	dma.local @!p2 [spmem:s2], $0x2080  }
0x7b: {  	s0 =	simm.s32 @!p2 $0x2  }
0x7c: {  	s30 =	sadd.s32 $0x1, s30;
	_ =	swait.ge @!p2 [sflag:s0], $0x2080  }
0x7d: {  	p4 =	sne.s32 s30, s17;
	[sflag:s0] =	ssyncset.done @!p2 $0x0  }
.Ltmp1:
0x7e: {  	[sflag:s0] =	ssyncadd.s32 @!p2 $0xFFFFDF80;
	s0 =	simm.s32 @!p3 $0x2;
	(pc) =	sbr.rel @p4 .LBB2_1-.Ltmp1, $4  }
0x7f: {  	[hbm:s15], [sflag:s6] =	dma.local @!p3 [spmem:s8], $0x2780  }
0x80: {  	_ =	swait.ge @!p3 [sflag:s0], $0x2780  }
0x81: {  	[sflag:s0] =	ssyncset.done @!p3 $0x0  }
0x82: {  	[sflag:s0] =	ssyncadd.s32 @!p3 $0xFFFFD880  }
0x83: {  	_ =	sfence.sel $0x180000  }
0x84: {  	[bflag:$0x0] =	sbarrier.arrive $0xFFFF  }
0x85: {  	_ =	strace $0x9000004D  }
0x86: {  	s0 =	stileid.u32;
	[bflag:$0x2] =	sbarrier.arrive $0xFFFF  }
0x87: {  	p0 =	sne.s32 s0, $0x0;
	s0 =	rddreg [dreg:$0x3]  }
0x88: {  	s0 =	sadd.s32 @!p0 $0x100000, s0  }
0x89: {  	[sflag:s0] =	ssyncadd.tile.s32 @!p0 $0x1;
	_ =	shalt  }
.Lfunc_end2:
_tile_overlayer_lowered:
.L_overlay_start_2:
0x8a: {  	(tag) =	ssettag $0x2  }
0x8b: {  	s0 =	rddreg [dreg:$0x0];
	s2 =	stileid.u32  }
0x8c: {  	s1 =	rddreg [dreg:$0x1];
	p0 =	sne.s32 s2, $0x0  }
0x8d: {  	s3 =	rddreg [dreg:$0x2];
	[bflag:$0x3] =	sbarrier.arrive $0xFFFF;
	s2 =	simm.s32 @!p0 $0x1C02  }
0x8e: {  	[timem:s3], [sflag:s2] =	dma.local @!p0 [hbm:s0], s1  }
0x8f: {  	s0 =	simm.s32 @!p0 $0x2  }
0x90: {  	_ =	swait.ge @!p0 [sflag:s0], s1  }
0x91: {  	s1 =	ssub.s32 @!p0 $0x0, s1;
	[sflag:s0] =	ssyncset.done @!p0 $0x0  }
0x92: {  	[sflag:s0] =	ssyncadd.s32 @!p0 s1  }
0x93: {  	[bflag:$0x3] =	sbarrier.arrive $0xFFFF  }
0x94: {  	_ =	shalt  }

// kernel: kernel.8.cloned.1.call-start
scs
__scs_entry_jumppad:
0x0: {  	(pc) =	sbr.rel $0x88, $3  }
0x1: {  	(tag) =	ssettag $0x0;
	lr =	simm.s32 $0x1  }
0x2: {  	[smem:$0x3F9B] =	sst lr;
	_ =	strace $0xD0000000  }
0x3: {  	_ = 	snop  }
0x4: {  	_ = 	snop  }
0x5: {  	_ = 	snop  }
0x6: {  	_ = 	snop  }
0x7: {  	_ = 	snop  }
__scs_overlays_trampoline_lowered:
0x8: {  	[smem:$0x3FAA] =	sst s0  }
0x9: {  	[smem:$0x3FAB] =	sst s1  }
0xa: {  	[smem:$0x3FAC] =	sst s2  }
0xb: {  	[smem:$0x3FAD] =	sst s3  }
0xc: {  	[smem:$0x3FAE] =	sst s4  }
0xd: {  	[smem:$0x3FAF] =	sst s5  }
0xe: {  	[smem:$0x3FB0] =	sst s6  }
0xf: {  	[smem:$0x3FB1] =	sst s7  }
0x10: {  	[smem:$0x3FB2] =	sst s8  }
0x11: {  	[smem:$0x3FB3] =	sst s9;
	s0 =	simm.s32 @!p0 $0x0  }
0x12: {  	s1 =	sld [smem:$0x3F99];
	s0 =	simm.s32 @p0 $0x1  }
0x13: {  	[smem:$0x3FB4] =	sst s0;
	s0 =	simm.s32 @!p1 $0x0  }
0x14: {  	s2 =	sld [smem:$0x3F98];
	s0 =	simm.s32 @p1 $0x1  }
0x15: {  	[smem:$0x3FB5] =	sst s0;
	s0 =	simm.s32 @!p2 $0x0  }
0x16: {  	s3 =	sld [smem:$0x3FDB];
	s0 =	simm.s32 @p2 $0x1  }
0x17: {  	s4 =	simm.s32 $0x1BF5;
	[smem:$0x3FB7] =	sst s0  }
0x18: {  	s0 =	sld [smem:$0x3F9A];
	_ =	swait.ge [sflag:s4], $0x0  }
0x19: {  	s7 =	sld [smem:$0x3F9B]  }
0x1a: {  	s8 =	sadd.s32 $0xFFFFE003, lr  }
0x1b: {  	s9 =	sadd.s32 $0xFFFFFEF7, lr;
	s5 =	simm.s32 $0xFFFFFFFF;
	p2 =	slt.u32 s8, $0xFFFFF086  }
0x1c: {  	p1 =	slt.u32 s9, $0xF7A;
	s5 =	simm.s32 @!p2 $0x0  }
0x1d: {  	s5 =	simm.s32 @p1 $0x1;
	p0 =	seq.s32 s7, s2  }
0x1e: {  	s7 =	smul.u32 @!p0 $0xF7A, s2;
	p2 =	seq.s32 @!p0 s5, $0x0  }
0x1f: {  	s9 =	smul.u32 $0xF7A, s1;
	s8 =	simm.s32 @!p0 $0x1BF5;
	p2 =	por !p2, p0  }
0x20: {  	[sflag:s8] =	ssyncset.s32 @!p0 $0xFFFFF086;
	s6 =	sadd.s32 @!p0 s3, s7;
	s7 =	simm.s32 @!p0 $0x108  }
0x21: {  	s3 =	sadd.s32 s3, s9;
	s6 =	sadd.s32 @!p0 $0x88, s6;
	s7 =	simm.s32 @p2 $0x1082  }
0x22: {  	[simem:s7], [sflag:s8] =	dma.local @!p0 [hbm:s6], $0xF7A  }
0x23: {  	s9 =	sor.u32 $0xD0000000, s2;
	s6 =	simm.s32 $0x108;
	_ =	swait.ge @!p0 [sflag:s8], $0x0  }
0x24: {  	s3 =	sadd.s32 $0x88, s3;
	s6 =	simm.s32 @!p1 $0x1082;
	[sflag:s4] =	ssyncset.s32 $0xFFFFF086  }
0x25: {  	[simem:s6], [sflag:s4] =	dma.local [hbm:s3], $0xF7A  }
0x26: {  	[smem:$0x3F9B] =	sst s1;
	(tag) =	ssettag s2;
	_ =	strace s9  }
0x27: {  	s1 =	sld [smem:$0x3FAB]  }
0x28: {  	s2 =	sld [smem:$0x3FAC]  }
0x29: {  	s4 =	sld [smem:$0x3FAE]  }
0x2a: {  	p0 =	seq.s32 s5, $0x0;
	s5 =	sld [smem:$0x3FAF]  }
0x2b: {  	s6 =	sld [smem:$0x3FB0]  }
0x2c: {  	s7 =	sld [smem:$0x3FB1]  }
0x2d: {  	s3 =	simm.s32 $0x108;
	s8 =	sld [smem:$0x3FB2]  }
0x2e: {  	s3 =	simm.s32 @!p0 $0x1082;
	s9 =	sld [smem:$0x3FB3]  }
0x2f: {  	lr =	sadd.s32 s0, s3;
	s0 =	sld [smem:$0x3FAA]  }
0x30: {  	s3 =	sld [smem:$0x3FAD]  }
0x31: {  	[smem:$0x3FB6] =	sst s10  }
0x32: {  	s10 =	sld [smem:$0x3FB4];
	_ =	sdelay $0x3  }
0x33: {  	p0 =	seq.s32 s10, $0x1;
	s10 =	sld [smem:$0x3FB6];
	_ =	sdelay $0x3  }
0x34: {  	[smem:$0x3FB6] =	sst s10  }
0x35: {  	s10 =	sld [smem:$0x3FB5];
	_ =	sdelay $0x3  }
0x36: {  	p1 =	seq.s32 s10, $0x1;
	s10 =	sld [smem:$0x3FB6];
	_ =	sdelay $0x3  }
0x37: {  	[smem:$0x3FB6] =	sst s10  }
0x38: {  	s10 =	sld [smem:$0x3FB7]  }
0x39: {  	_ = 	snop;
	(pc) =	sbr.ind lr, $3  }
0x3a: {  	_ = 	snop  }
0x3b: {  	_ = 	snop  }
0x3c: {  	p2 =	seq.s32 s10, $0x1;
	s10 =	sld [smem:$0x3FB6]  }
0x3d: {  	_ =	shalt  }
0x3e: {  	_ =	shalt  }
0x3f: {  	_ =	shalt  }
0x40: {  	_ =	shalt  }
0x41: {  	_ =	shalt  }
0x42: {  	_ =	shalt  }
0x43: {  	_ =	shalt  }
0x44: {  	_ =	shalt  }
0x45: {  	_ =	shalt  }
0x46: {  	_ =	shalt  }
0x47: {  	_ =	shalt  }
0x48: {  	_ =	shalt  }
0x49: {  	_ =	shalt  }
0x4a: {  	_ =	shalt  }
0x4b: {  	_ =	shalt  }
0x4c: {  	_ =	shalt  }
0x4d: {  	_ =	shalt  }
0x4e: {  	_ =	shalt  }
0x4f: {  	_ =	shalt  }
0x50: {  	_ =	shalt  }
0x51: {  	_ =	shalt  }
0x52: {  	_ =	shalt  }
0x53: {  	_ =	shalt  }
0x54: {  	_ =	shalt  }
0x55: {  	_ =	shalt  }
0x56: {  	_ =	shalt  }
0x57: {  	_ =	shalt  }
0x58: {  	_ =	shalt  }
0x59: {  	_ =	shalt  }
0x5a: {  	_ =	shalt  }
0x5b: {  	_ =	shalt  }
0x5c: {  	_ =	shalt  }
0x5d: {  	_ =	shalt  }
0x5e: {  	_ =	shalt  }
0x5f: {  	_ =	shalt  }
0x60: {  	_ =	shalt  }
0x61: {  	_ =	shalt  }
0x62: {  	_ =	shalt  }
0x63: {  	_ =	shalt  }
0x64: {  	_ =	shalt  }
0x65: {  	_ =	shalt  }
0x66: {  	_ =	shalt  }
0x67: {  	_ =	shalt  }
0x68: {  	_ =	shalt  }
0x69: {  	_ =	shalt  }
0x6a: {  	_ =	shalt  }
0x6b: {  	_ =	shalt  }
0x6c: {  	_ =	shalt  }
0x6d: {  	_ =	shalt  }
0x6e: {  	_ =	shalt  }
0x6f: {  	_ =	shalt  }
0x70: {  	_ =	shalt  }
0x71: {  	_ =	shalt  }
0x72: {  	_ =	shalt  }
0x73: {  	_ =	shalt  }
0x74: {  	_ =	shalt  }
0x75: {  	_ =	shalt  }
0x76: {  	_ =	shalt  }
0x77: {  	_ =	shalt  }
0x78: {  	_ =	shalt  }
0x79: {  	_ =	shalt  }
0x7a: {  	_ =	shalt  }
0x7b: {  	_ =	shalt  }
0x7c: {  	_ =	shalt  }
0x7d: {  	_ =	shalt  }
0x7e: {  	_ =	shalt  }
0x7f: {  	_ =	shalt  }
0x80: {  	_ =	shalt  }
0x81: {  	_ =	shalt  }
0x82: {  	_ =	shalt  }
0x83: {  	_ =	shalt  }
0x84: {  	_ =	shalt  }
0x85: {  	_ =	shalt  }
0x86: {  	_ =	shalt  }
0x87: {  	_ =	shalt  }
.Lfunc_end0:
.L_simem_size_0:
called_computation_lowered:
.L_overlay_start_0:
0x88: {  	s2 =	sld [smem:$0x3FD9]  }
0x89: {  	s3 =	sld [smem:$0x3FFE];
	_ =	sdelay $0x1  }
0x8a: {  	s1 =	srdreg.scid  }
0x8b: {  	s0 =	sand.u32 $0x1, s1  }
0x8c: {  	s17 =	sshll.u32 s0, $0xA;
	s2 =	sadd.s32 s3, s2  }
0x8d: {  	s2 =	sadd.s32 s2, s17  }
0x8e: {  	[smem:$0x3FC2] =	sst s2  }
0x8f: {  	_ = 	snop  }
0x90: {  	s2 =	sld [smem:$0x3FD0];
	(tm) =	ssettm $0x1  }
0x91: {  	s18 =	sld [smem:$0x3FFB];
	_ =	sdelay $0x3  }
0x92: {  	_ =	strace s18  }
0x93: {  	s3 =	sld [smem:$0x3FFC];
	_ =	sdelay $0x3  }
0x94: {  	_ =	strace s3  }
0x95: {  	s3 =	sld [smem:$0x3FFD];
	_ =	sdelay $0x3  }
0x96: {  	_ =	strace s3  }
0x97: {  	_ =	strace $0x8FFFFFFF  }
0x98: {  	s19 =	sld [smem:$0x3FDB];
	_ =	sdelay $0x1  }
0x99: {  	s4 =	simm.s32 $_scs_section_size  }
0x9a: {  	s5 =	simm.s32 $_size__tile_overlayer_lowered;
	s6 =	simm.s32 $_tile_overlayer_lowered  }
0x9b: {  	s22 =	simm.s32 $0x1BFF;
	s21 =	sshll.u32 s6, $0x1;
	s3 =	sadd.s32 s4, s19  }
0x9c: {  	s7 =	simm.s32 $0x0;
	s20 =	sshll.u32 s5, $0x1;
	s5 =	sadd.s32 s21, s3  }
0x9d: {  	[timem:s7], [sflag:s22] =	dma.local [hbm:s5], s20  }
0x9e: {  	_ =	swait.ge [sflag:s22], s20  }
0x9f: {  	s4 =	ssub.s32 $0x0, s20;
	[sflag:s22] =	ssyncset.done $0x0  }
0xa0: {  	[sflag:s22] =	ssyncadd.s32 s4;
	_ =	sdelay $0x1  }
0xa1: {  	s23 =	simm.s32 $0x1B8B  }
0xa2: {  	_ =	swait.ge [sflag:s23], $0x1  }
0xa3: {  	[sflag:s23] =	ssyncset.done $0x0  }
0xa4: {  	s25 =	simm.s32 $0x1B8E;
	s24 =	sld [smem:$0x3FFE];
	[sflag:s23] =	ssyncadd.s32 $0xFFFFFFFF  }
0xa5: {  	s26 =	simm.s32 $execute0_lowered;
	[smem:$0x3FD2] =	sst s25  }
0xa6: {  	s5 =	sshll.u32 s26, $0x1;
	_ =	strace $0x80000046;
	[dreg:$0x1] =	wrdreg $0xFFFFFFFF  }
0xa7: {  	s28 =	simm.s32 $_size_execute0_lowered;
	s3 =	sadd.s32 s3, s5;
	[dreg:$0x0] =	wrdreg $0x0  }
0xa8: {  	s5 =	sshll.u32 s28, $0x1;
	[dreg:$0x2] =	wrdreg s3  }
0xa9: {  	[dreg:$0x3] =	wrdreg s5  }
0xaa: {  	[dreg:$0x4] =	wrdreg $0xC0  }
0xab: {  	_ =	task [dreg:s7], $0x5FFFF  }
0xac: {  	[dreg:$0x1] =	wrdreg $0xFFFFFFFF  }
0xad: {  	[dreg:$0x0] =	wrdreg $0x60  }
0xae: {  	[dreg:$0x2] =	wrdreg s24  }
0xaf: {  	[dreg:$0x3] =	wrdreg s2  }
0xb0: {  	[dreg:$0x4] =	wrdreg $0x41000  }
0xb1: {  	[dreg:$0x5] =	wrdreg $0x9  }
0xb2: {  	_ =	task.clear_ibuf [dreg:s7], $0x6FFFF;
	_ =	strace $0x90000046  }
0xb3: {  	s29 =	simm.s32 $0x9;
	_ =	strace $0x80000048  }
0xb4: {  	_ =	swait.ge [sflag:s29], $0x1  }
0xb5: {  	[sflag:s29] =	ssyncadd.s32 $0xFFFFFFFF  }
0xb6: {  	_ =	strace $0x90000048  }
0xb7: {  	_ =	sfence  }
0xb8: {  	s30 =	sld [smem:$0x0];
	_ =	sdelay $0x2  }
0xb9: {  	s31 =	sshll.u32 s1, $0xD;
	s1 =	sshrl.u32 s1, $0x2  }
0xba: {  	s3 =	sand.u32 $0x4000, s31;
	s1 =	sadd.s32 s1, s30  }
0xbb: {  	s0 =	sor.u32 s3, s0;
	s1 =	sshll.u32 s1, $0x11  }
0xbc: {  	s0 =	sor.u32 s1, s0  }
0xbd: {  	s0 =	sadd.s32 $0x8F2B, s0  }
0xbe: {  	[sflag:s0] =	ssyncadd.remote.s32 $0x1  }
0xbf: {  	_ =	sfence.sel $0xFFFF  }
0xc0: {  	[dreg:$0x0] =	wrdreg $0xFFFFFFFF;
	(pc) =	sbr.abs _section_cstart, $3  }
0xc1: {  	[dreg:$0x1] =	wrdreg $0xFFFFFFFF  }
0xc2: {  	_ =	task.clear_ibuf [dreg:s7], $0x2FFFF;
	_ =	strace $0x9FFFFFFF  }
0xc3: {  	(tm) =	ssettm $0x7FFFFFFF  }
tec
execute0_lowered:
.L_overlay_start_1:
0x0: {  	(tag) =	ssettag $0x1  }
0x1: {  	s13 =	rddreg [dreg:$0x0]  }
0x2: {  	s8 =	rddreg [dreg:$0x1]  }
0x3: {  	s1 =	rddreg [dreg:$0x2]  }
0x4: {  	s0 =	rddreg [dreg:$0x3];
	s2 =	simm.s32 $0x0  }
0x5: {  	s4 =	srdreg.scid;
	s3 =	stileid.u32;
	s19 =	simm.s32 $0x100  }
0x6: {  	s20 =	simm.s32 $0x1;
	s21 =	simm.s32 $0x80;
	s22 =	simm.s32 $0x10  }
0x7: {  	s23 =	simm.s32 $0x0;
	[smem:$0x7FF] =	sst s2;
	s6 =	smul.u32 $0x4F000, s3  }
0x8: {  	s15 =	sadd.s32 $0xCE00, s13;
	s10 =	sand.u32 $0x1, s4;
	s7 =	smul.u32 $0x2780, s3  }
0x9: {  	s4 =	sadd.s32 $0x16C00, s13;
	s18 =	smul.u32 $0x2710, s3;
	p0 =	seq.s32 s3, $0xF  }
0xa: {  	_ =	strace $0x80000047;
	s5 =	sshll.u32 s10, $0x4;
	s9 =	ssub.s32 $0x2, s10  }
0xb: {  	s17 =	smul.u32 $0x27100, s10;
	p4 =	seq.s32 s10, $0x1;
	s5 =	sor.u32 s3, s5  }
0xc: {  	s11 =	sshrl.u32 s9, $0x1;
	s6 =	sshrl.u32 s6, $0x2;
	s14 =	sadd.s32 s7, s13  }
0xd: {  	p2 =	seq.s32 @p4 s3, $0xF;
	p5 =	seq.s32 @!p4 s3, $0xF;
	s12 =	smul.u32 $0x2710, s5  }
0xe: {  	s16 =	ssub.s32 s9, s11;
	s5 =	sadd.s32 s6, s1;
	s6 =	sadd.s32 s8, s7  }
0xf: {  	s7 =	sadd.s32 $0x128400, s1;
	s8 =	sadd.s32 $0x25080, s8;
	s10 =	sadd.s32 $0x17400, s14  }
0x10: {  	s11 =	sadd.s32 $0x3C480, s13;
	s13 =	sadd.s32 $0x63680, s13;
	s17 =	sadd.s32 s18, s17  }
0x11: {  	p1 =	por !p2, !p4;
	p2 =	por p2, !p4;
	p3 =	por !p5, p4  }
0x12: {  	p4 =	por p5, p4;
	s31 =	sshrl.u32 s17, $0x3;
	s17 =	sshll.u32 @!p0 s3, $0x6  }
0x13: {  	s18 =	sshrl.u32 @!p0 s5, $0x3;
	s30 =	sshrl.u32 s12, $0x3;
	s12 =	sadd.s32 $0x3E600, s14  }
0x14: {  	s14 =	smax.u32 s16, $0x1;
	s16 =	sshrl.u32 @p0 s7, $0x3;
	s9 =	sadd.s32 s15, s30  }
0x15: {  	s17 =	sor.u32 @!p0 $0x1C01, s17;
	s15 =	sadd.s32 s31, s15;
	s9 =	sadd.s32 $0x4E0, s9  }
.LBB2_1:
0x16: {  	s24 =	simm.s32 @p0 $0x1FC1  }
0x17: {  	[spmem:s16], [sflag:s24] =	dma.local @p0 [hbm:s8], $0x2080  }
0x18: {  	s24 =	simm.s32 @p0 $0x1  }
0x19: {  	_ =	swait.ge @p0 [sflag:s24], $0x2080  }
0x1a: {  	[sflag:s24] =	ssyncset.done @p0 $0x0  }
0x1b: {  	[sflag:s24] =	ssyncadd.s32 @p0 $0xFFFFDF80;
	s24 =	simm.s32 @!p0 $0x1  }
0x1c: {  	[spmem:s18], [sflag:s17] =	dma.local @!p0 [hbm:s6], $0x2780  }
0x1d: {  	_ =	swait.ge @!p0 [sflag:s24], $0x2780  }
0x1e: {  	[sflag:s24] =	ssyncset.done @!p0 $0x0  }
0x1f: {  	[sflag:s24] =	ssyncadd.s32 @!p0 $0xFFFFD880  }
0x20: {  	[tilespmem:s19], [sflag:$0x1] =	stream.linear.gather [hbm4b:s4+s2], $0x4000, $0x38;
	[tilespmem:$0x17980] =	vst v63  }
0x21: {  	_ =	swait.ge [sflag:s20], $0x4000  }
0x22: {  	[sflag:s20] =	ssyncset.done $0x0  }
0x23: {  	[sflag:s20] =	ssyncadd.s32 $0xFFFFC000  }
0x24: {  	s31 =	sadd.s32 $0x0, s15;
	[bflag:$0x0] =	sbarrier.arrive $0xFFFF  }
0x25: {  	[tilespmem:s2], [sflag:$0x1] =	stream.linear.gather [hbm4b:s31+s2], $0x80, $0x38;
	[tilespmem:$0x17980] =	vst v63  }
0x26: {  	_ =	swait.ge [sflag:s20], $0x80  }
0x27: {  	[sflag:s20] =	ssyncset.done $0x0  }
0x28: {  	[sflag:s20] =	ssyncadd.s32 $0xFFFFFF80  }
0x29: {  	[spmem:s1] =	stream.indirect.scatter.add.f32 [tilespmem:s19], [sflag:$0x1], $0x80, s2, s21, $0xb8;
	[tilespmem:$0x17980] =	vst v63  }
0x2a: {  	_ =	swait.ge [sflag:s20], $0x4000  }
0x2b: {  	s25 =	simm.s32 $0x20;
	s24 =	simm.s32 $0x10;
	[sflag:s20] =	ssyncset.done $0x0  }
.LBB2_2:
0x2c: {  	s26 =	sadd.s32 s24, s15  }
0x2d: {  	[sflag:s20] =	ssyncadd.s32 $0xFFFFC000;
	s24 =	smov.u32 s25;
	s28 =	sadd.s32 $0x10, s25  }
0x2e: {  	[tilespmem:s2], [sflag:$0x1] =	stream.linear.gather [hbm4b:s26+s2], $0x80, $0x38;
	[tilespmem:$0x17980] =	vst v63  }
0x2f: {  	p5 =	sne.s32 s25, $0x4D0;
	_ =	swait.ge [sflag:s20], $0x80  }
.Ltmp0:
0x30: {  	[sflag:s20] =	ssyncset.done $0x0;
	(pc) =	sbr.rel @p5 .LBB2_2-.Ltmp0, $4  }
0x31: {  	[sflag:s20] =	ssyncadd.s32 $0xFFFFFF80  }
0x32: {  	[spmem:s1] =	stream.indirect.scatter.add.f32 [tilespmem:s19], [sflag:$0x1], $0x80, s2, s21, $0xb8;
	[tilespmem:$0x17980] =	vst v63  }
0x33: {  	_ =	swait.ge [sflag:s20], $0x4000  }
0x34: {  	s25 =	smov.u32 s28;
	[sflag:s20] =	ssyncset.done $0x0  }
0x35: {  	s24 =	sadd.s32 s24, s15;
	[sflag:s20] =	ssyncadd.s32 $0xFFFFC000  }
0x36: {  	[tilespmem:s2], [sflag:$0x1] =	stream.linear.gather [hbm4b:s24+s2], $0x80, $0x38;
	[tilespmem:$0x17980] =	vst v63  }
0x37: {  	_ =	swait.ge [sflag:s20], $0x80  }
0x38: {  	[sflag:s20] =	ssyncset.done $0x0  }
0x39: {  	[sflag:s20] =	ssyncadd.s32 $0xFFFFFF80  }
0x3a: {  	[spmem:s1] =	stream.indirect.scatter.add.f32 [tilespmem:s19], [sflag:$0x1], $0x80, s2, s21, $0xb8;
	[tilespmem:$0x17980] =	vst v63  }
0x3b: {  	_ =	swait.ge [sflag:s20], $0x4000  }
0x3c: {  	[sflag:s20] =	ssyncset.done $0x0  }
0x3d: {  	[sflag:s20] =	ssyncadd.s32 $0xFFFFC000  }
0x3e: {  	[tilespmem:s21], [sflag:$0x1] =	stream.linear.gather [hbm4b:s9+s2], $0x10, $0x38;
	[tilespmem:$0x17980] =	vst v63  }
0x3f: {  	_ =	swait.ge [sflag:s20], $0x10  }
0x40: {  	[sflag:s20] =	ssyncset.done $0x0  }
0x41: {  	[sflag:s20] =	ssyncadd.s32 $0xFFFFFFF0  }
0x42: {  	[spmem:s1] =	stream.indirect.scatter.add.f32 [tilespmem:s19], [sflag:$0x1], $0x80, s21, s22, $0xb8;
	[tilespmem:$0x17980] =	vst v63  }
0x43: {  	_ =	swait.ge [sflag:s20], $0x800  }
0x44: {  	[sflag:s20] =	ssyncset.done $0x0  }
0x45: {  	[sflag:s20] =	ssyncadd.s32 $0xFFFFF800  }
0x46: {  	s25 =	simm.s32 @!p1 $0x1FC1;
	s24 =	sshrl.u32 @!p1 s7, $0x3;
	[bflag:$0x0] =	sbarrier.arrive $0xFFFF  }
0x47: {  	[hbm:s13], [sflag:s25] =	dma.local @!p1 [spmem:s24], $0x2080  }
0x48: {  	s24 =	simm.s32 @!p1 $0x1  }
0x49: {  	_ =	swait.ge @!p1 [sflag:s24], $0x2080  }
0x4a: {  	s25 =	sshll.u32 @!p2 s3, $0x6;
	[sflag:s24] =	ssyncset.done @!p1 $0x0  }
0x4b: {  	[sflag:s24] =	ssyncadd.s32 @!p1 $0xFFFFDF80;
	s24 =	sor.u32 @!p2 $0x1C01, s25;
	s25 =	sshrl.u32 @!p2 s5, $0x3  }
0x4c: {  	[hbm:s12], [sflag:s24] =	dma.local @!p2 [spmem:s25], $0x2780  }
0x4d: {  	s24 =	simm.s32 @!p2 $0x1  }
0x4e: {  	_ =	swait.ge @!p2 [sflag:s24], $0x2780  }
0x4f: {  	[sflag:s24] =	ssyncset.done @!p2 $0x0  }
0x50: {  	s25 =	simm.s32 @!p3 $0x1FC1;
	[sflag:s24] =	ssyncadd.s32 @!p2 $0xFFFFD880;
	s24 =	sshrl.u32 @!p3 s7, $0x3  }
0x51: {  	[hbm:s11], [sflag:s25] =	dma.local @!p3 [spmem:s24], $0x2080  }
0x52: {  	s24 =	simm.s32 @!p3 $0x1  }
0x53: {  	s23 =	sadd.s32 $0x1, s23;
	_ =	swait.ge @!p3 [sflag:s24], $0x2080  }
0x54: {  	p5 =	sne.s32 s23, s14;
	s25 =	sshll.u32 @!p4 s3, $0x6;
	[sflag:s24] =	ssyncset.done @!p3 $0x0  }
0x55: {  	[sflag:s24] =	ssyncadd.s32 @!p3 $0xFFFFDF80;
	s24 =	sor.u32 @!p4 $0x1C01, s25;
	s25 =	sshrl.u32 @!p4 s5, $0x3  }
0x56: {  	[hbm:s10], [sflag:s24] =	dma.local @!p4 [spmem:s25], $0x2780  }
.Ltmp1:
0x57: {  	_ = 	snop;
	(pc) =	sbr.rel @p5 .LBB2_1-.Ltmp1, $4  }
0x58: {  	s24 =	simm.s32 @!p4 $0x1  }
0x59: {  	_ =	swait.ge @!p4 [sflag:s24], $0x2780  }
0x5a: {  	[sflag:s24] =	ssyncset.done @!p4 $0x0  }
0x5b: {  	[sflag:s24] =	ssyncadd.s32 @!p4 $0xFFFFD880  }
0x5c: {  	_ =	sfence.sel $0x180000  }
0x5d: {  	[bflag:$0x0] =	sbarrier.arrive $0xFFFF  }
0x5e: {  	p0 =	sne.s32 s3, $0x0;
	_ =	strace $0x90000047  }
0x5f: {  	s0 =	sadd.s32 @!p0 $0x100000, s0;
	[bflag:$0x2] =	sbarrier.arrive $0xFFFF  }
0x60: {  	[sflag:s0] =	ssyncadd.tile.s32 @!p0 $0x1;
	_ =	shalt  }
.Lfunc_end2:
_tile_overlayer_lowered:
.L_overlay_start_2:
0x61: {  	(tag) =	ssettag $0x2  }
0x62: {  	s0 =	rddreg [dreg:$0x0];
	s2 =	stileid.u32  }
0x63: {  	s1 =	rddreg [dreg:$0x1];
	p0 =	sne.s32 s2, $0x0  }
0x64: {  	s3 =	rddreg [dreg:$0x2];
	[bflag:$0x3] =	sbarrier.arrive $0xFFFF;
	s2 =	simm.s32 @!p0 $0x1C01  }
0x65: {  	[timem:s3], [sflag:s2] =	dma.local @!p0 [hbm:s0], s1  }
0x66: {  	s0 =	simm.s32 @!p0 $0x1  }
0x67: {  	_ =	swait.ge @!p0 [sflag:s0], s1  }
0x68: {  	s1 =	ssub.s32 @!p0 $0x0, s1;
	[sflag:s0] =	ssyncset.done @!p0 $0x0  }
0x69: {  	[sflag:s0] =	ssyncadd.s32 @!p0 s1  }
0x6a: {  	[bflag:$0x3] =	sbarrier.arrive $0xFFFF  }
0x6b: {  	_ =	shalt  }

</sc_bundles>
